<compile_context>
chip_gen: v7x
topology: tpu7x:2x2x1
jax: 0.10.2.dev20260603
libtpu: 0.0.44.dev20260713+nightly
codegen_flags: <defaults>
</compile_context>

<pallas_src>
import functools

import jax
import jax.numpy as jnp
from jax import lax
from jax.experimental import pallas as pl
from jax.experimental.pallas import tpu as pltpu
from jax.experimental.pallas import tpu_sc as plsc

B, DIN, D, K, H, C = 4096, 1024, 256, 8192, 4, 1000
COMMITMENT_COST = 0.25

BM = 512
BK = 1024
NI = B // BM
NK = K // BK

_NC = 2
_NS = 16
_NW = _NC * _NS
_BPW = B // _NW


def _main_body(h_ref, w1_ref, b1_ref, w2_ref, b2_ref, cb_ref,
               ze_ref, idx_ref, bb_s):
    i = pl.program_id(0)

    @pl.when(i == 0)
    def _bb():
        for kb in range(NK):
            cbc = cb_ref[kb * BK:(kb + 1) * BK, :]
            bb_s[kb:kb + 1, :] = jnp.sum(cbc * cbc, axis=1)[None, :]

    z = jnp.tanh(jnp.dot(h_ref[...], w1_ref[...],
                         preferred_element_type=jnp.float32) + b1_ref[...])
    ze = jnp.dot(z, w2_ref[...],
                 preferred_element_type=jnp.float32) + b2_ref[...]
    ze_ref[...] = ze
    s = jnp.sum(ze * ze, axis=1, keepdims=True)

    best_v = None
    best_i = None
    for kb in range(NK):
        cbc = cb_ref[kb * BK:(kb + 1) * BK, :]
        m = lax.dot_general(ze, cbc, (((1,), (1,)), ((), ())),
                            preferred_element_type=jnp.float32)
        t1 = s + bb_s[kb:kb + 1, :]
        v = t1 - 2.0 * m
        loc_min = jnp.min(v, axis=1, keepdims=True)
        iota = lax.broadcasted_iota(jnp.int32, v.shape, 1)
        loc_idx = jnp.min(jnp.where(v == loc_min, iota, BK), axis=1,
                          keepdims=True) + kb * BK
        if kb == 0:
            best_v, best_i = loc_min, loc_idx
        else:
            better = loc_min < best_v
            best_v = jnp.where(better, loc_min, best_v)
            best_i = jnp.where(better, loc_idx, best_i)
    idx_ref[...] = best_i


def _main(h, W1, b1, W2, b2, codebook):
    return pl.pallas_call(
        _main_body,
        grid=(NI,),
        in_specs=[
            pl.BlockSpec((BM, DIN), lambda i: (i, 0)),
            pl.BlockSpec((DIN, D), lambda i: (0, 0)),
            pl.BlockSpec((1, D), lambda i: (0, 0)),
            pl.BlockSpec((D, D), lambda i: (0, 0)),
            pl.BlockSpec((1, D), lambda i: (0, 0)),
            pl.BlockSpec((K, D), lambda i: (0, 0)),
        ],
        out_specs=[
            pl.BlockSpec((BM, D), lambda i: (i, 0)),
            pl.BlockSpec((BM, 1), lambda i: (i, 0)),
        ],
        out_shape=[
            jax.ShapeDtypeStruct((B, D), jnp.float32),
            jax.ShapeDtypeStruct((B, 1), jnp.int32),
        ],
        scratch_shapes=[pltpu.VMEM((NK, BK), jnp.float32)],
    )(h, W1, b1.reshape(1, D), W2, b2.reshape(1, D), codebook)


@functools.partial(
    pl.kernel,
    mesh=plsc.VectorSubcoreMesh(core_axis_name="c", subcore_axis_name="s"),
    out_type=jax.ShapeDtypeStruct((B, D), jnp.float32),
    scratch_types=[
        pltpu.VMEM((_BPW,), jnp.int32),
        pltpu.VMEM((_BPW, D), jnp.float32),
        pltpu.SemaphoreType.DMA,
    ],
)
def _sc_gather(table_hbm, idx_hbm, out_hbm, idx_v, rows_v, sem):
    wid = lax.axis_index("s") * _NC + lax.axis_index("c")
    base = wid * _BPW
    pltpu.sync_copy(idx_hbm.at[pl.ds(base, _BPW)], idx_v)
    pltpu.async_copy(table_hbm.at[idx_v], rows_v, sem).wait()
    pltpu.sync_copy(rows_v, out_hbm.at[pl.ds(base, _BPW)])


def _tail_body(ze_ref, q_ref, idx_ref, hw_ref, hb_ref,
               qst_ref, log_ref, vql_ref, perp_ref, acc_ref, counts_ref):
    i = pl.program_id(0)
    ze = ze_ref[...]
    q = q_ref[...]
    qst = ze + (q - ze)
    qst_ref[...] = qst

    diff = ze - q
    ss = jnp.sum(diff * diff)

    @pl.when(i == 0)
    def _init():
        acc_ref[0, 0] = 0.0
        counts_ref[...] = jnp.zeros((NK, BK), jnp.float32)

    acc_ref[0, 0] += ss

    idxb = idx_ref[...]
    for c in range(NK):
        bins = lax.broadcasted_iota(jnp.int32, (BM, BK), 1) + c * BK
        eq = (idxb == bins).astype(jnp.float32)
        counts_ref[c:c + 1, :] += jnp.sum(eq, axis=0, keepdims=True)

    parts = []
    for j in range(H):
        parts.append(jnp.dot(qst, hw_ref[j],
                             preferred_element_type=jnp.float32) + hb_ref[j])
    log_ref[...] = jnp.concatenate(parts, axis=1)

    @pl.when(i == NI - 1)
    def _emit():
        mse = acc_ref[0, 0] / (B * D)
        vql_ref[...] = ((1.0 + COMMITMENT_COST) * mse).reshape(1, 1)
        p = counts_ref[...] * (1.0 / B)
        ent = jnp.sum(p * jnp.log(p + 1e-10))
        perp_ref[...] = jnp.exp(-ent).reshape(1, 1)


def _tail(z_e, quantized, idx2d, head_W, head_b):
    return pl.pallas_call(
        _tail_body,
        grid=(NI,),
        in_specs=[
            pl.BlockSpec((BM, D), lambda i: (i, 0)),
            pl.BlockSpec((BM, D), lambda i: (i, 0)),
            pl.BlockSpec((BM, 1), lambda i: (i, 0)),
            pl.BlockSpec((H, D, C), lambda i: (0, 0, 0)),
            pl.BlockSpec((H, 1, C), lambda i: (0, 0, 0)),
        ],
        out_specs=[
            pl.BlockSpec((BM, D), lambda i: (i, 0)),
            pl.BlockSpec((BM, H * C), lambda i: (i, 0)),
            pl.BlockSpec((1, 1), lambda i: (0, 0)),
            pl.BlockSpec((1, 1), lambda i: (0, 0)),
        ],
        out_shape=[
            jax.ShapeDtypeStruct((B, D), jnp.float32),
            jax.ShapeDtypeStruct((B, H * C), jnp.float32),
            jax.ShapeDtypeStruct((1, 1), jnp.float32),
            jax.ShapeDtypeStruct((1, 1), jnp.float32),
        ],
        scratch_shapes=[
            pltpu.SMEM((1, 1), jnp.float32),
            pltpu.VMEM((NK, BK), jnp.float32),
        ],
    )(z_e, quantized, idx2d, head_W, head_b.reshape(H, 1, C))


def kernel(h, W1, b1, W2, b2, codebook, head_W, head_b):
    z_e, idx2d = _main(h, W1, b1, W2, b2, codebook)
    encoding_indices = idx2d.reshape(B)
    quantized = _sc_gather(codebook, encoding_indices)
    quantized_st, logits2d, vq_loss2d, perp2d = _tail(
        z_e, quantized, idx2d, head_W, head_b)
    vq_loss = vq_loss2d.reshape(())
    perplexity = perp2d.reshape(())
    logits = logits2d.reshape(B, H, C)
    return (logits, quantized_st, vq_loss, perplexity, encoding_indices)

# --- scband reference (transcript-rebuilt; emitter-appended) ---
"""Pipeline reference for scband-vqvaepolicy-idpredictor-51024211476942 (READ-ONLY COPY).

The authoritative reference and input builder live on the scoring server;
editing this copy changes nothing except your own understanding.
"""

import jax, jax.numpy as jnp
import numpy as np

B, DIN, D, K, H, C = 4096, 1024, 256, 8192, 4, 1000
COMMITMENT_COST = 0.25

def setup_inputs(seed: int = 0) -> dict:
    key = jax.random.key(seed)
    ks = jax.random.split(key, 8)
    h = jax.random.normal(ks[0], (B, DIN), dtype=jnp.float32)
    W1 = jax.random.normal(ks[1], (DIN, D), dtype=jnp.float32) * (1.0 / np.sqrt(DIN))
    b1 = jnp.zeros((D,), dtype=jnp.float32)
    W2 = jax.random.normal(ks[2], (D, D), dtype=jnp.float32) * (1.0 / np.sqrt(D))
    b2 = jnp.zeros((D,), dtype=jnp.float32)
    codebook = jax.random.uniform(ks[3], (K, D), dtype=jnp.float32, minval=-1.0 / K, maxval=1.0 / K)
    head_W = jax.random.normal(ks[4], (H, D, C), dtype=jnp.float32) * (1.0 / np.sqrt(D))
    head_b = jnp.zeros((H, C), dtype=jnp.float32)
    return {"h": h, "W1": W1, "b1": b1, "W2": W2, "b2": b2, "codebook": codebook, "head_W": head_W, "head_b": head_b}

def reference(h, W1, b1, W2, b2, codebook, head_W, head_b):
    # projection MLP (2 layers, tanh activation)
    z = jnp.tanh(h @ W1 + b1)
    z_e = z @ W2 + b2
    # VectorQuantizer
    distances = (jnp.sum(z_e ** 2, axis=1, keepdims=True)
                 + jnp.sum(codebook ** 2, axis=1)
                 - 2.0 * (z_e @ codebook.T))
    encoding_indices = jnp.argmin(distances, axis=1)
    encodings = jax.nn.one_hot(encoding_indices, codebook.shape[0], dtype=jnp.float32)
    quantized = encodings @ codebook
    e_latent_loss = jnp.mean((z_e - jax.lax.stop_gradient(quantized)) ** 2)
    q_latent_loss = jnp.mean((quantized - jax.lax.stop_gradient(z_e)) ** 2)
    vq_loss = q_latent_loss + COMMITMENT_COST * e_latent_loss
    quantized_st = z_e + jax.lax.stop_gradient(quantized - z_e)
    avg_probs = jnp.mean(encodings, axis=0)
    perplexity = jnp.exp(-jnp.sum(avg_probs * jnp.log(avg_probs + 1e-10)))
    # prediction heads, stacked on dim 1
    policy_ids_logits = jnp.einsum('bd,hdc->bhc', quantized_st, head_W) + head_b
    return (policy_ids_logits, quantized_st, vq_loss, perplexity, encoding_indices)

if __name__ == "__main__":
    import jax
    _d = setup_inputs()
    print(jax.jit(kernel)(*tuple(_d.values())))

</pallas_src>

<mosaic_0001>
#map = affine_map<(d0, d1) -> (0, 0)>
#map1 = affine_map<(d0, d1) -> (0)>
module attributes {stable_mosaic.version = 14 : i64} {
  func.func @_sc_gather(%arg0: i32, %arg1: i32, %arg2: memref<8192x256xf32, #tpu.memory_space<hbm>>, %arg3: memref<4096xi32, #tpu.memory_space<hbm>>, %arg4: memref<4096x256xf32, #tpu.memory_space<hbm>>, %arg5: memref<128xi32, #tpu.memory_space<vmem>>, %arg6: memref<128x256xf32, #tpu.memory_space<vmem>>, %arg7: memref<!tpu.dma_semaphore, #tpu.memory_space<semaphore_mem>>) attributes {dimension_semantics = [#tpu.dimension_semantics<core_parallel>, #tpu.dimension_semantics<subcore_parallel>], iteration_bounds = array<i64: 2, 16>, scalar_prefetch = 0 : i64, scratch_operands = 3 : i64, tpu.core_type = #tpu.core_type<sc_vector_subcore>, window_params = [{transform_indices = #map}, {transform_indices = #map1}, {transform_indices = #map}]} {
    %mul3A = arith.constant 2 : i32
    %mul3A_0 = arith.muli %arg1, %mul3A : i32
    %add3A = arith.addi %mul3A_0, %arg0 : i32
    %mul3A_1 = arith.constant 128 : i32
    %mul3A_2 = arith.muli %add3A, %mul3A_1 : i32
    "tpu.region"() ({
      %run_scoped3A = tpu.sem_alloc : memref<!tpu.dma_semaphore, #tpu.memory_space<semaphore_mem>>
      %dma_start3A_7 = tpu.memref_slice %arg3[%mul3A_2] : memref<4096xi32, #tpu.memory_space<hbm>> -> memref<128xi32, #tpu.memory_space<hbm>>
      %dma_start3A_8 = tpu.memref_slice %arg3[%mul3A_2] : memref<4096xi32, #tpu.memory_space<hbm>> -> memref<128xi32, #tpu.memory_space<hbm>>
      tpu.enqueue_dma source(%dma_start3A_8 : memref<128xi32, #tpu.memory_space<hbm>>) target(%arg5 : memref<128xi32, #tpu.memory_space<vmem>>) target_semaphore(%run_scoped3A : memref<!tpu.dma_semaphore, #tpu.memory_space<semaphore_mem>>)
      %dma_wait3A_9 = tpu.memref_slice %arg3[%mul3A_2] : memref<4096xi32, #tpu.memory_space<hbm>> -> memref<128xi32, #tpu.memory_space<hbm>>
      %dma_wait3A_10 = tpu.memref_slice %arg3[%mul3A_2] : memref<4096xi32, #tpu.memory_space<hbm>> -> memref<128xi32, #tpu.memory_space<hbm>>
      tpu.wait_dma2 semaphore(%run_scoped3A : memref<!tpu.dma_semaphore, #tpu.memory_space<semaphore_mem>>) src(%dma_wait3A_10 : memref<128xi32, #tpu.memory_space<hbm>>) dst(%arg5 : memref<128xi32, #tpu.memory_space<vmem>>)
      tpu.yield
    }) : () -> ()
    %dma_start3A = arith.constant 0 : i32
    %dma_start3A_3 = arith.constant 0 : i32
    %dma_start3A_4 = tpu.memref_slice %arg2[%dma_start3A, %dma_start3A_3] : memref<8192x256xf32, #tpu.memory_space<hbm>> -> memref<8192x256xf32, #tpu.memory_space<hbm>>
    tpu.enqueue_indirect_dma source(%dma_start3A_4 : memref<8192x256xf32, #tpu.memory_space<hbm>>) target(%arg6 : memref<128x256xf32, #tpu.memory_space<vmem>>) offsets(%arg5 : memref<128xi32, #tpu.memory_space<vmem>>) semaphore(%arg7 : memref<!tpu.dma_semaphore, #tpu.memory_space<semaphore_mem>>)
    %dma_wait3A = arith.constant 0 : i32
    %dma_wait3A_5 = arith.constant 0 : i32
    %dma_wait3A_6 = tpu.memref_slice %arg2[%dma_wait3A, %dma_wait3A_5] : memref<8192x256xf32, #tpu.memory_space<hbm>> -> memref<8192x256xf32, #tpu.memory_space<hbm>>
    tpu.wait_indirect_dma semaphore(%arg7 : memref<!tpu.dma_semaphore, #tpu.memory_space<semaphore_mem>>) src(%dma_wait3A_6 : memref<8192x256xf32, #tpu.memory_space<hbm>>) dst(%arg6 : memref<128x256xf32, #tpu.memory_space<vmem>>)
    "tpu.region"() ({
      %run_scoped3A = tpu.sem_alloc : memref<!tpu.dma_semaphore, #tpu.memory_space<semaphore_mem>>
      %dma_start3A_7 = arith.constant 0 : i32
      %dma_start3A_8 = tpu.memref_slice %arg4[%mul3A_2, %dma_start3A_7] : memref<4096x256xf32, #tpu.memory_space<hbm>> -> memref<128x256xf32, #tpu.memory_space<hbm>>
      %dma_start3A_9 = arith.constant 0 : i32
      %dma_start3A_10 = tpu.memref_slice %arg4[%mul3A_2, %dma_start3A_9] : memref<4096x256xf32, #tpu.memory_space<hbm>> -> memref<128x256xf32, #tpu.memory_space<hbm>>
      tpu.enqueue_dma source(%arg6 : memref<128x256xf32, #tpu.memory_space<vmem>>) target(%dma_start3A_10 : memref<128x256xf32, #tpu.memory_space<hbm>>) target_semaphore(%run_scoped3A : memref<!tpu.dma_semaphore, #tpu.memory_space<semaphore_mem>>)
      %dma_wait3A_11 = arith.constant 0 : i32
      %dma_wait3A_12 = tpu.memref_slice %arg4[%mul3A_2, %dma_wait3A_11] : memref<4096x256xf32, #tpu.memory_space<hbm>> -> memref<128x256xf32, #tpu.memory_space<hbm>>
      %dma_wait3A_13 = arith.constant 0 : i32
      %dma_wait3A_14 = tpu.memref_slice %arg4[%mul3A_2, %dma_wait3A_13] : memref<4096x256xf32, #tpu.memory_space<hbm>> -> memref<128x256xf32, #tpu.memory_space<hbm>>
      tpu.wait_dma2 semaphore(%run_scoped3A : memref<!tpu.dma_semaphore, #tpu.memory_space<semaphore_mem>>) src(%arg6 : memref<128x256xf32, #tpu.memory_space<vmem>>) dst(%dma_wait3A_14 : memref<128x256xf32, #tpu.memory_space<hbm>>)
      tpu.yield
    }) : () -> ()
    return
  }
}

module attributes {stable_mosaic.version = 14 : i64} {
  func.func @_main_body(%arg0: i32, %arg1: memref<512x1024xf32, #tpu.memory_space<vmem>>, %arg2: memref<1024x256xf32, #tpu.memory_space<vmem>>, %arg3: memref<1x256xf32, #tpu.memory_space<vmem>>, %arg4: memref<256x256xf32, #tpu.memory_space<vmem>>, %arg5: memref<1x256xf32, #tpu.memory_space<vmem>>, %arg6: memref<8192x256xf32, #tpu.memory_space<vmem>>, %arg7: memref<512x256xf32, #tpu.memory_space<vmem>>, %arg8: memref<512x1xi32, #tpu.memory_space<vmem>>, %arg9: memref<8x1024xf32, #tpu.memory_space<vmem>>) attributes {dimension_semantics = [#tpu.dimension_semantics<arbitrary>], iteration_bounds = array<i64: 8>, scalar_prefetch = 0 : i64, scratch_operands = 1 : i64, tpu.core_type = #tpu.core_type<tc>, window_params = [{transform_indices = @transform_0, window_bounds = array<i64: 512, 1024>}, {pipeline_mode = #tpu.pipeline_mode<synchronous>, transform_indices = @transform_1, window_bounds = array<i64: 1024, 256>}, {pipeline_mode = #tpu.pipeline_mode<synchronous>, transform_indices = @transform_2, window_bounds = array<i64: 1, 256>}, {pipeline_mode = #tpu.pipeline_mode<synchronous>, transform_indices = @transform_3, window_bounds = array<i64: 256, 256>}, {pipeline_mode = #tpu.pipeline_mode<synchronous>, transform_indices = @transform_4, window_bounds = array<i64: 1, 256>}, {pipeline_mode = #tpu.pipeline_mode<synchronous>, transform_indices = @transform_5, window_bounds = array<i64: 8192, 256>}, {transform_indices = @transform_6, window_bounds = array<i64: 512, 256>}, {transform_indices = @transform_7, window_bounds = array<i64: 512, 1>}]} {
    %eq3A = arith.constant 0 : i32
    %eq3A_0 = arith.cmpi eq, %arg0, %eq3A : i32
    %convert_element_type3A = arith.extui %eq3A_0 : i1 to i32
    %cond3A = arith.constant 0 : i32
    %cond3A_1 = arith.cmpi ne, %convert_element_type3A, %cond3A : i32
    scf.if %cond3A_1 {
      %get3A_282 = arith.constant 0 : index
      %get3A_283 = arith.constant 0 : index
      %get3A_284 = vector.load %arg6[%get3A_282, %get3A_283] : memref<8192x256xf32, #tpu.memory_space<vmem>>, vector<1024x256xf32>
      %mul3A_285 = arith.mulf %get3A_284, %get3A_284 : vector<1024x256xf32>
      %reduce_sum3A_286 = arith.constant dense<0.000000e+00> : vector<1024xf32>
      %reduce_sum3A_287 = vector.multi_reduction <add>, %mul3A_285, %reduce_sum3A_286 [1] : vector<1024x256xf32> to vector<1024xf32>
      %broadcast_in_dim3A_288 = vector.shape_cast %reduce_sum3A_287 : vector<1024xf32> to vector<1x1024xf32>
      %swap3A_289 = arith.constant 0 : index
      %swap3A_290 = arith.constant 0 : index
      %swap3A_291 = vector.load %arg9[%swap3A_289, %swap3A_290] : memref<8x1024xf32, #tpu.memory_space<vmem>>, vector<1x1024xf32>
      tpu.vector_store %arg9[%swap3A_289, %swap3A_290], %broadcast_in_dim3A_288 {strides = array<i32>} : memref<8x1024xf32, #tpu.memory_space<vmem>>, vector<1x1024xf32>,
      %get3A_292 = arith.constant 1024 : index
      %get3A_293 = arith.constant 0 : index
      %get3A_294 = vector.load %arg6[%get3A_292, %get3A_293] : memref<8192x256xf32, #tpu.memory_space<vmem>>, vector<1024x256xf32>
      %mul3A_295 = arith.mulf %get3A_294, %get3A_294 : vector<1024x256xf32>
      %reduce_sum3A_296 = arith.constant dense<0.000000e+00> : vector<1024xf32>
      %reduce_sum3A_297 = vector.multi_reduction <add>, %mul3A_295, %reduce_sum3A_296 [1] : vector<1024x256xf32> to vector<1024xf32>
      %broadcast_in_dim3A_298 = vector.shape_cast %reduce_sum3A_297 : vector<1024xf32> to vector<1x1024xf32>
      %swap3A_299 = arith.constant 1 : index
      %swap3A_300 = arith.constant 0 : index
      %swap3A_301 = vector.load %arg9[%swap3A_299, %swap3A_300] : memref<8x1024xf32, #tpu.memory_space<vmem>>, vector<1x1024xf32>
      tpu.vector_store %arg9[%swap3A_299, %swap3A_300], %broadcast_in_dim3A_298 {strides = array<i32>} : memref<8x1024xf32, #tpu.memory_space<vmem>>, vector<1x1024xf32>,
      %get3A_302 = arith.constant 2048 : index
      %get3A_303 = arith.constant 0 : index
      %get3A_304 = vector.load %arg6[%get3A_302, %get3A_303] : memref<8192x256xf32, #tpu.memory_space<vmem>>, vector<1024x256xf32>
      %mul3A_305 = arith.mulf %get3A_304, %get3A_304 : vector<1024x256xf32>
      %reduce_sum3A_306 = arith.constant dense<0.000000e+00> : vector<1024xf32>
      %reduce_sum3A_307 = vector.multi_reduction <add>, %mul3A_305, %reduce_sum3A_306 [1] : vector<1024x256xf32> to vector<1024xf32>
      %broadcast_in_dim3A_308 = vector.shape_cast %reduce_sum3A_307 : vector<1024xf32> to vector<1x1024xf32>
      %swap3A_309 = arith.constant 2 : index
      %swap3A_310 = arith.constant 0 : index
      %swap3A_311 = vector.load %arg9[%swap3A_309, %swap3A_310] : memref<8x1024xf32, #tpu.memory_space<vmem>>, vector<1x1024xf32>
      tpu.vector_store %arg9[%swap3A_309, %swap3A_310], %broadcast_in_dim3A_308 {strides = array<i32>} : memref<8x1024xf32, #tpu.memory_space<vmem>>, vector<1x1024xf32>,
      %get3A_312 = arith.constant 3072 : index
      %get3A_313 = arith.constant 0 : index
      %get3A_314 = vector.load %arg6[%get3A_312, %get3A_313] : memref<8192x256xf32, #tpu.memory_space<vmem>>, vector<1024x256xf32>
      %mul3A_315 = arith.mulf %get3A_314, %get3A_314 : vector<1024x256xf32>
      %reduce_sum3A_316 = arith.constant dense<0.000000e+00> : vector<1024xf32>
      %reduce_sum3A_317 = vector.multi_reduction <add>, %mul3A_315, %reduce_sum3A_316 [1] : vector<1024x256xf32> to vector<1024xf32>
      %broadcast_in_dim3A_318 = vector.shape_cast %reduce_sum3A_317 : vector<1024xf32> to vector<1x1024xf32>
      %swap3A_319 = arith.constant 3 : index
      %swap3A_320 = arith.constant 0 : index
      %swap3A_321 = vector.load %arg9[%swap3A_319, %swap3A_320] : memref<8x1024xf32, #tpu.memory_space<vmem>>, vector<1x1024xf32>
      tpu.vector_store %arg9[%swap3A_319, %swap3A_320], %broadcast_in_dim3A_318 {strides = array<i32>} : memref<8x1024xf32, #tpu.memory_space<vmem>>, vector<1x1024xf32>,
      %get3A_322 = arith.constant 4096 : index
      %get3A_323 = arith.constant 0 : index
      %get3A_324 = vector.load %arg6[%get3A_322, %get3A_323] : memref<8192x256xf32, #tpu.memory_space<vmem>>, vector<1024x256xf32>
      %mul3A_325 = arith.mulf %get3A_324, %get3A_324 : vector<1024x256xf32>
      %reduce_sum3A_326 = arith.constant dense<0.000000e+00> : vector<1024xf32>
      %reduce_sum3A_327 = vector.multi_reduction <add>, %mul3A_325, %reduce_sum3A_326 [1] : vector<1024x256xf32> to vector<1024xf32>
      %broadcast_in_dim3A_328 = vector.shape_cast %reduce_sum3A_327 : vector<1024xf32> to vector<1x1024xf32>
      %swap3A_329 = arith.constant 4 : index
      %swap3A_330 = arith.constant 0 : index
      %swap3A_331 = vector.load %arg9[%swap3A_329, %swap3A_330] : memref<8x1024xf32, #tpu.memory_space<vmem>>, vector<1x1024xf32>
      tpu.vector_store %arg9[%swap3A_329, %swap3A_330], %broadcast_in_dim3A_328 {strides = array<i32>} : memref<8x1024xf32, #tpu.memory_space<vmem>>, vector<1x1024xf32>,
      %get3A_332 = arith.constant 5120 : index
      %get3A_333 = arith.constant 0 : index
      %get3A_334 = vector.load %arg6[%get3A_332, %get3A_333] : memref<8192x256xf32, #tpu.memory_space<vmem>>, vector<1024x256xf32>
      %mul3A_335 = arith.mulf %get3A_334, %get3A_334 : vector<1024x256xf32>
      %reduce_sum3A_336 = arith.constant dense<0.000000e+00> : vector<1024xf32>
      %reduce_sum3A_337 = vector.multi_reduction <add>, %mul3A_335, %reduce_sum3A_336 [1] : vector<1024x256xf32> to vector<1024xf32>
      %broadcast_in_dim3A_338 = vector.shape_cast %reduce_sum3A_337 : vector<1024xf32> to vector<1x1024xf32>
      %swap3A_339 = arith.constant 5 : index
      %swap3A_340 = arith.constant 0 : index
      %swap3A_341 = vector.load %arg9[%swap3A_339, %swap3A_340] : memref<8x1024xf32, #tpu.memory_space<vmem>>, vector<1x1024xf32>
      tpu.vector_store %arg9[%swap3A_339, %swap3A_340], %broadcast_in_dim3A_338 {strides = array<i32>} : memref<8x1024xf32, #tpu.memory_space<vmem>>, vector<1x1024xf32>,
      %get3A_342 = arith.constant 6144 : index
      %get3A_343 = arith.constant 0 : index
      %get3A_344 = vector.load %arg6[%get3A_342, %get3A_343] : memref<8192x256xf32, #tpu.memory_space<vmem>>, vector<1024x256xf32>
      %mul3A_345 = arith.mulf %get3A_344, %get3A_344 : vector<1024x256xf32>
      %reduce_sum3A_346 = arith.constant dense<0.000000e+00> : vector<1024xf32>
      %reduce_sum3A_347 = vector.multi_reduction <add>, %mul3A_345, %reduce_sum3A_346 [1] : vector<1024x256xf32> to vector<1024xf32>
      %broadcast_in_dim3A_348 = vector.shape_cast %reduce_sum3A_347 : vector<1024xf32> to vector<1x1024xf32>
      %swap3A_349 = arith.constant 6 : index
      %swap3A_350 = arith.constant 0 : index
      %swap3A_351 = vector.load %arg9[%swap3A_349, %swap3A_350] : memref<8x1024xf32, #tpu.memory_space<vmem>>, vector<1x1024xf32>
      tpu.vector_store %arg9[%swap3A_349, %swap3A_350], %broadcast_in_dim3A_348 {strides = array<i32>} : memref<8x1024xf32, #tpu.memory_space<vmem>>, vector<1x1024xf32>,
      %get3A_352 = arith.constant 7168 : index
      %get3A_353 = arith.constant 0 : index
      %get3A_354 = vector.load %arg6[%get3A_352, %get3A_353] : memref<8192x256xf32, #tpu.memory_space<vmem>>, vector<1024x256xf32>
      %mul3A_355 = arith.mulf %get3A_354, %get3A_354 : vector<1024x256xf32>
      %reduce_sum3A_356 = arith.constant dense<0.000000e+00> : vector<1024xf32>
      %reduce_sum3A_357 = vector.multi_reduction <add>, %mul3A_355, %reduce_sum3A_356 [1] : vector<1024x256xf32> to vector<1024xf32>
      %broadcast_in_dim3A_358 = vector.shape_cast %reduce_sum3A_357 : vector<1024xf32> to vector<1x1024xf32>
      %swap3A_359 = arith.constant 7 : index
      %swap3A_360 = arith.constant 0 : index
      %swap3A_361 = vector.load %arg9[%swap3A_359, %swap3A_360] : memref<8x1024xf32, #tpu.memory_space<vmem>>, vector<1x1024xf32>
      tpu.vector_store %arg9[%swap3A_359, %swap3A_360], %broadcast_in_dim3A_358 {strides = array<i32>} : memref<8x1024xf32, #tpu.memory_space<vmem>>, vector<1x1024xf32>,
    } else {
    }
    %get3A = arith.constant 0 : index
    %get3A_2 = arith.constant 0 : index
    %get3A_3 = vector.load %arg1[%get3A, %get3A_2] : memref<512x1024xf32, #tpu.memory_space<vmem>>, vector<512x1024xf32>
    %get3A_4 = arith.constant 0 : index
    %get3A_5 = arith.constant 0 : index
    %get3A_6 = vector.load %arg2[%get3A_4, %get3A_5] : memref<1024x256xf32, #tpu.memory_space<vmem>>, vector<1024x256xf32>
    %dot_general3A = arith.constant dense<0.000000e+00> : vector<512x256xf32>
    %dot_general3A_7 = tpu.matmul %get3A_3, %get3A_6, %dot_general3A {dimension_numbers = #tpu.dot_dimension_numbers<[1], [0], [0], [1], [0, 0, 1, 1], [], []>, transpose_lhs_hint = false} : vector<512x1024xf32>, vector<1024x256xf32>, vector<512x256xf32> -> vector<512x256xf32>
    %get3A_8 = arith.constant 0 : index
    %get3A_9 = arith.constant 0 : index
    %get3A_10 = vector.load %arg3[%get3A_8, %get3A_9] : memref<1x256xf32, #tpu.memory_space<vmem>>, vector<1x256xf32>
    %add3A = vector.broadcast %get3A_10 : vector<1x256xf32> to vector<512x256xf32>
    %add3A_11 = arith.addf %dot_general3A_7, %add3A : vector<512x256xf32>
    %tanh3A = math.tanh %add3A_11 : vector<512x256xf32>
    %get3A_12 = arith.constant 0 : index
    %get3A_13 = arith.constant 0 : index
    %get3A_14 = vector.load %arg4[%get3A_12, %get3A_13] : memref<256x256xf32, #tpu.memory_space<vmem>>, vector<256x256xf32>
    %dot_general3A_15 = arith.constant dense<0.000000e+00> : vector<512x256xf32>
    %dot_general3A_16 = tpu.matmul %tanh3A, %get3A_14, %dot_general3A_15 {dimension_numbers = #tpu.dot_dimension_numbers<[1], [0], [0], [1], [0, 0, 1, 1], [], []>, transpose_lhs_hint = false} : vector<512x256xf32>, vector<256x256xf32>, vector<512x256xf32> -> vector<512x256xf32>
    %get3A_17 = arith.constant 0 : index
    %get3A_18 = arith.constant 0 : index
    %get3A_19 = vector.load %arg5[%get3A_17, %get3A_18] : memref<1x256xf32, #tpu.memory_space<vmem>>, vector<1x256xf32>
    %add3A_20 = vector.broadcast %get3A_19 : vector<1x256xf32> to vector<512x256xf32>
    %add3A_21 = arith.addf %dot_general3A_16, %add3A_20 : vector<512x256xf32>
    %swap3A = arith.constant 0 : index
    %swap3A_22 = arith.constant 0 : index
    %swap3A_23 = vector.load %arg7[%swap3A, %swap3A_22] : memref<512x256xf32, #tpu.memory_space<vmem>>, vector<512x256xf32>
    tpu.vector_store %arg7[%swap3A, %swap3A_22], %add3A_21 {strides = array<i32>} : memref<512x256xf32, #tpu.memory_space<vmem>>, vector<512x256xf32>,
    %mul3A = arith.mulf %add3A_21, %add3A_21 : vector<512x256xf32>
    %reduce_sum3A = arith.constant dense<0.000000e+00> : vector<512xf32>
    %reduce_sum3A_24 = vector.multi_reduction <add>, %mul3A, %reduce_sum3A [1] : vector<512x256xf32> to vector<512xf32>
    %broadcast_in_dim3A = vector.shape_cast %reduce_sum3A_24 : vector<512xf32> to vector<512x1xf32>
    %get3A_25 = arith.constant 0 : index
    %get3A_26 = arith.constant 0 : index
    %get3A_27 = vector.load %arg6[%get3A_25, %get3A_26] : memref<8192x256xf32, #tpu.memory_space<vmem>>, vector<1024x256xf32>
    %dot_general3A_28 = arith.constant dense<0.000000e+00> : vector<512x1024xf32>
    %dot_general3A_29 = tpu.matmul %add3A_21, %get3A_27, %dot_general3A_28 {dimension_numbers = #tpu.dot_dimension_numbers<[1], [1], [0], [0], [0, 0, 1, 0], [], []>, transpose_lhs_hint = false} : vector<512x256xf32>, vector<1024x256xf32>, vector<512x1024xf32> -> vector<512x1024xf32>
    %get3A_30 = arith.constant 0 : index
    %get3A_31 = arith.constant 0 : index
    %get3A_32 = vector.load %arg9[%get3A_30, %get3A_31] : memref<8x1024xf32, #tpu.memory_space<vmem>>, vector<1x1024xf32>
    %add3A_33 = vector.broadcast %broadcast_in_dim3A : vector<512x1xf32> to vector<512x1024xf32>
    %add3A_34 = vector.broadcast %get3A_32 : vector<1x1024xf32> to vector<512x1024xf32>
    %add3A_35 = arith.addf %add3A_33, %add3A_34 : vector<512x1024xf32>
    %mul3A_36 = arith.constant 2.000000e+00 : f32
    %mul3A_37 = vector.broadcast %mul3A_36 : f32 to vector<512x1024xf32>
    %mul3A_38 = arith.mulf %mul3A_37, %dot_general3A_29 : vector<512x1024xf32>
    %sub3A = arith.subf %add3A_35, %mul3A_38 : vector<512x1024xf32>
    %reduce_min3A = arith.constant dense<0x7F800000> : vector<512xf32>
    %reduce_min3A_39 = vector.multi_reduction <minimumf>, %sub3A, %reduce_min3A [1] : vector<512x1024xf32> to vector<512xf32>
    %broadcast_in_dim3A_40 = vector.shape_cast %reduce_min3A_39 : vector<512xf32> to vector<512x1xf32>
    %iota3A = tpu.iota {dimensions = array<i32: 1>} : vector<512x1024xi32>
    %eq3A_41 = vector.broadcast %broadcast_in_dim3A_40 : vector<512x1xf32> to vector<512x1024xf32>
    %eq3A_42 = arith.cmpf oeq, %sub3A, %eq3A_41 : vector<512x1024xf32>
    %jit3A = arith.constant 1024 : i32
    %broadcast_in_dim3A_43 = vector.broadcast %jit3A : i32 to vector<512x1024xi32>
    %select_n3A = arith.select %eq3A_42, %iota3A, %broadcast_in_dim3A_43 : vector<512x1024xi1>, vector<512x1024xi32>
    %reduce_min3A_44 = arith.constant dense<2147483647> : vector<512xi32>
    %reduce_min3A_45 = vector.multi_reduction <minsi>, %select_n3A, %reduce_min3A_44 [1] : vector<512x1024xi32> to vector<512xi32>
    %broadcast_in_dim3A_46 = vector.shape_cast %reduce_min3A_45 : vector<512xi32> to vector<512x1xi32>
    %add3A_47 = arith.constant 0 : i32
    %add3A_48 = vector.broadcast %add3A_47 : i32 to vector<512x1xi32>
    %add3A_49 = arith.addi %broadcast_in_dim3A_46, %add3A_48 : vector<512x1xi32>
    %get3A_50 = arith.constant 1024 : index
    %get3A_51 = arith.constant 0 : index
    %get3A_52 = vector.load %arg6[%get3A_50, %get3A_51] : memref<8192x256xf32, #tpu.memory_space<vmem>>, vector<1024x256xf32>
    %dot_general3A_53 = arith.constant dense<0.000000e+00> : vector<512x1024xf32>
    %dot_general3A_54 = tpu.matmul %add3A_21, %get3A_52, %dot_general3A_53 {dimension_numbers = #tpu.dot_dimension_numbers<[1], [1], [0], [0], [0, 0, 1, 0], [], []>, transpose_lhs_hint = false} : vector<512x256xf32>, vector<1024x256xf32>, vector<512x1024xf32> -> vector<512x1024xf32>
    %get3A_55 = arith.constant 1 : index
    %get3A_56 = arith.constant 0 : index
    %get3A_57 = vector.load %arg9[%get3A_55, %get3A_56] : memref<8x1024xf32, #tpu.memory_space<vmem>>, vector<1x1024xf32>
    %add3A_58 = vector.broadcast %broadcast_in_dim3A : vector<512x1xf32> to vector<512x1024xf32>
    %add3A_59 = vector.broadcast %get3A_57 : vector<1x1024xf32> to vector<512x1024xf32>
    %add3A_60 = arith.addf %add3A_58, %add3A_59 : vector<512x1024xf32>
    %mul3A_61 = arith.constant 2.000000e+00 : f32
    %mul3A_62 = vector.broadcast %mul3A_61 : f32 to vector<512x1024xf32>
    %mul3A_63 = arith.mulf %mul3A_62, %dot_general3A_54 : vector<512x1024xf32>
    %sub3A_64 = arith.subf %add3A_60, %mul3A_63 : vector<512x1024xf32>
    %reduce_min3A_65 = arith.constant dense<0x7F800000> : vector<512xf32>
    %reduce_min3A_66 = vector.multi_reduction <minimumf>, %sub3A_64, %reduce_min3A_65 [1] : vector<512x1024xf32> to vector<512xf32>
    %broadcast_in_dim3A_67 = vector.shape_cast %reduce_min3A_66 : vector<512xf32> to vector<512x1xf32>
    %iota3A_68 = tpu.iota {dimensions = array<i32: 1>} : vector<512x1024xi32>
    %eq3A_69 = vector.broadcast %broadcast_in_dim3A_67 : vector<512x1xf32> to vector<512x1024xf32>
    %eq3A_70 = arith.cmpf oeq, %sub3A_64, %eq3A_69 : vector<512x1024xf32>
    %jit3A_71 = arith.constant 1024 : i32
    %broadcast_in_dim3A_72 = vector.broadcast %jit3A_71 : i32 to vector<512x1024xi32>
    %select_n3A_73 = arith.select %eq3A_70, %iota3A_68, %broadcast_in_dim3A_72 : vector<512x1024xi1>, vector<512x1024xi32>
    %reduce_min3A_74 = arith.constant dense<2147483647> : vector<512xi32>
    %reduce_min3A_75 = vector.multi_reduction <minsi>, %select_n3A_73, %reduce_min3A_74 [1] : vector<512x1024xi32> to vector<512xi32>
    %broadcast_in_dim3A_76 = vector.shape_cast %reduce_min3A_75 : vector<512xi32> to vector<512x1xi32>
    %add3A_77 = arith.constant 1024 : i32
    %add3A_78 = vector.broadcast %add3A_77 : i32 to vector<512x1xi32>
    %add3A_79 = arith.addi %broadcast_in_dim3A_76, %add3A_78 : vector<512x1xi32>
    %lt3A = arith.cmpf olt, %broadcast_in_dim3A_67, %broadcast_in_dim3A_40 : vector<512x1xf32>
    %select_n3A_80 = arith.select %lt3A, %broadcast_in_dim3A_67, %broadcast_in_dim3A_40 : vector<512x1xi1>, vector<512x1xf32>
    %select_n3A_81 = arith.select %lt3A, %add3A_79, %add3A_49 : vector<512x1xi1>, vector<512x1xi32>
    %get3A_82 = arith.constant 2048 : index
    %get3A_83 = arith.constant 0 : index
    %get3A_84 = vector.load %arg6[%get3A_82, %get3A_83] : memref<8192x256xf32, #tpu.memory_space<vmem>>, vector<1024x256xf32>
    %dot_general3A_85 = arith.constant dense<0.000000e+00> : vector<512x1024xf32>
    %dot_general3A_86 = tpu.matmul %add3A_21, %get3A_84, %dot_general3A_85 {dimension_numbers = #tpu.dot_dimension_numbers<[1], [1], [0], [0], [0, 0, 1, 0], [], []>, transpose_lhs_hint = false} : vector<512x256xf32>, vector<1024x256xf32>, vector<512x1024xf32> -> vector<512x1024xf32>
    %get3A_87 = arith.constant 2 : index
    %get3A_88 = arith.constant 0 : index
    %get3A_89 = vector.load %arg9[%get3A_87, %get3A_88] : memref<8x1024xf32, #tpu.memory_space<vmem>>, vector<1x1024xf32>
    %add3A_90 = vector.broadcast %broadcast_in_dim3A : vector<512x1xf32> to vector<512x1024xf32>
    %add3A_91 = vector.broadcast %get3A_89 : vector<1x1024xf32> to vector<512x1024xf32>
    %add3A_92 = arith.addf %add3A_90, %add3A_91 : vector<512x1024xf32>
    %mul3A_93 = arith.constant 2.000000e+00 : f32
    %mul3A_94 = vector.broadcast %mul3A_93 : f32 to vector<512x1024xf32>
    %mul3A_95 = arith.mulf %mul3A_94, %dot_general3A_86 : vector<512x1024xf32>
    %sub3A_96 = arith.subf %add3A_92, %mul3A_95 : vector<512x1024xf32>
    %reduce_min3A_97 = arith.constant dense<0x7F800000> : vector<512xf32>
    %reduce_min3A_98 = vector.multi_reduction <minimumf>, %sub3A_96, %reduce_min3A_97 [1] : vector<512x1024xf32> to vector<512xf32>
    %broadcast_in_dim3A_99 = vector.shape_cast %reduce_min3A_98 : vector<512xf32> to vector<512x1xf32>
    %iota3A_100 = tpu.iota {dimensions = array<i32: 1>} : vector<512x1024xi32>
    %eq3A_101 = vector.broadcast %broadcast_in_dim3A_99 : vector<512x1xf32> to vector<512x1024xf32>
    %eq3A_102 = arith.cmpf oeq, %sub3A_96, %eq3A_101 : vector<512x1024xf32>
    %jit3A_103 = arith.constant 1024 : i32
    %broadcast_in_dim3A_104 = vector.broadcast %jit3A_103 : i32 to vector<512x1024xi32>
    %select_n3A_105 = arith.select %eq3A_102, %iota3A_100, %broadcast_in_dim3A_104 : vector<512x1024xi1>, vector<512x1024xi32>
    %reduce_min3A_106 = arith.constant dense<2147483647> : vector<512xi32>
    %reduce_min3A_107 = vector.multi_reduction <minsi>, %select_n3A_105, %reduce_min3A_106 [1] : vector<512x1024xi32> to vector<512xi32>
    %broadcast_in_dim3A_108 = vector.shape_cast %reduce_min3A_107 : vector<512xi32> to vector<512x1xi32>
    %add3A_109 = arith.constant 2048 : i32
    %add3A_110 = vector.broadcast %add3A_109 : i32 to vector<512x1xi32>
    %add3A_111 = arith.addi %broadcast_in_dim3A_108, %add3A_110 : vector<512x1xi32>
    %lt3A_112 = arith.cmpf olt, %broadcast_in_dim3A_99, %select_n3A_80 : vector<512x1xf32>
    %select_n3A_113 = arith.select %lt3A_112, %broadcast_in_dim3A_99, %select_n3A_80 : vector<512x1xi1>, vector<512x1xf32>
    %select_n3A_114 = arith.select %lt3A_112, %add3A_111, %select_n3A_81 : vector<512x1xi1>, vector<512x1xi32>
    %get3A_115 = arith.constant 3072 : index
    %get3A_116 = arith.constant 0 : index
    %get3A_117 = vector.load %arg6[%get3A_115, %get3A_116] : memref<8192x256xf32, #tpu.memory_space<vmem>>, vector<1024x256xf32>
    %dot_general3A_118 = arith.constant dense<0.000000e+00> : vector<512x1024xf32>
    %dot_general3A_119 = tpu.matmul %add3A_21, %get3A_117, %dot_general3A_118 {dimension_numbers = #tpu.dot_dimension_numbers<[1], [1], [0], [0], [0, 0, 1, 0], [], []>, transpose_lhs_hint = false} : vector<512x256xf32>, vector<1024x256xf32>, vector<512x1024xf32> -> vector<512x1024xf32>
    %get3A_120 = arith.constant 3 : index
    %get3A_121 = arith.constant 0 : index
    %get3A_122 = vector.load %arg9[%get3A_120, %get3A_121] : memref<8x1024xf32, #tpu.memory_space<vmem>>, vector<1x1024xf32>
    %add3A_123 = vector.broadcast %broadcast_in_dim3A : vector<512x1xf32> to vector<512x1024xf32>
    %add3A_124 = vector.broadcast %get3A_122 : vector<1x1024xf32> to vector<512x1024xf32>
    %add3A_125 = arith.addf %add3A_123, %add3A_124 : vector<512x1024xf32>
    %mul3A_126 = arith.constant 2.000000e+00 : f32
    %mul3A_127 = vector.broadcast %mul3A_126 : f32 to vector<512x1024xf32>
    %mul3A_128 = arith.mulf %mul3A_127, %dot_general3A_119 : vector<512x1024xf32>
    %sub3A_129 = arith.subf %add3A_125, %mul3A_128 : vector<512x1024xf32>
    %reduce_min3A_130 = arith.constant dense<0x7F800000> : vector<512xf32>
    %reduce_min3A_131 = vector.multi_reduction <minimumf>, %sub3A_129, %reduce_min3A_130 [1] : vector<512x1024xf32> to vector<512xf32>
    %broadcast_in_dim3A_132 = vector.shape_cast %reduce_min3A_131 : vector<512xf32> to vector<512x1xf32>
    %iota3A_133 = tpu.iota {dimensions = array<i32: 1>} : vector<512x1024xi32>
    %eq3A_134 = vector.broadcast %broadcast_in_dim3A_132 : vector<512x1xf32> to vector<512x1024xf32>
    %eq3A_135 = arith.cmpf oeq, %sub3A_129, %eq3A_134 : vector<512x1024xf32>
    %jit3A_136 = arith.constant 1024 : i32
    %broadcast_in_dim3A_137 = vector.broadcast %jit3A_136 : i32 to vector<512x1024xi32>
    %select_n3A_138 = arith.select %eq3A_135, %iota3A_133, %broadcast_in_dim3A_137 : vector<512x1024xi1>, vector<512x1024xi32>
    %reduce_min3A_139 = arith.constant dense<2147483647> : vector<512xi32>
    %reduce_min3A_140 = vector.multi_reduction <minsi>, %select_n3A_138, %reduce_min3A_139 [1] : vector<512x1024xi32> to vector<512xi32>
    %broadcast_in_dim3A_141 = vector.shape_cast %reduce_min3A_140 : vector<512xi32> to vector<512x1xi32>
    %add3A_142 = arith.constant 3072 : i32
    %add3A_143 = vector.broadcast %add3A_142 : i32 to vector<512x1xi32>
    %add3A_144 = arith.addi %broadcast_in_dim3A_141, %add3A_143 : vector<512x1xi32>
    %lt3A_145 = arith.cmpf olt, %broadcast_in_dim3A_132, %select_n3A_113 : vector<512x1xf32>
    %select_n3A_146 = arith.select %lt3A_145, %broadcast_in_dim3A_132, %select_n3A_113 : vector<512x1xi1>, vector<512x1xf32>
    %select_n3A_147 = arith.select %lt3A_145, %add3A_144, %select_n3A_114 : vector<512x1xi1>, vector<512x1xi32>
    %get3A_148 = arith.constant 4096 : index
    %get3A_149 = arith.constant 0 : index
    %get3A_150 = vector.load %arg6[%get3A_148, %get3A_149] : memref<8192x256xf32, #tpu.memory_space<vmem>>, vector<1024x256xf32>
    %dot_general3A_151 = arith.constant dense<0.000000e+00> : vector<512x1024xf32>
    %dot_general3A_152 = tpu.matmul %add3A_21, %get3A_150, %dot_general3A_151 {dimension_numbers = #tpu.dot_dimension_numbers<[1], [1], [0], [0], [0, 0, 1, 0], [], []>, transpose_lhs_hint = false} : vector<512x256xf32>, vector<1024x256xf32>, vector<512x1024xf32> -> vector<512x1024xf32>
    %get3A_153 = arith.constant 4 : index
    %get3A_154 = arith.constant 0 : index
    %get3A_155 = vector.load %arg9[%get3A_153, %get3A_154] : memref<8x1024xf32, #tpu.memory_space<vmem>>, vector<1x1024xf32>
    %add3A_156 = vector.broadcast %broadcast_in_dim3A : vector<512x1xf32> to vector<512x1024xf32>
    %add3A_157 = vector.broadcast %get3A_155 : vector<1x1024xf32> to vector<512x1024xf32>
    %add3A_158 = arith.addf %add3A_156, %add3A_157 : vector<512x1024xf32>
    %mul3A_159 = arith.constant 2.000000e+00 : f32
    %mul3A_160 = vector.broadcast %mul3A_159 : f32 to vector<512x1024xf32>
    %mul3A_161 = arith.mulf %mul3A_160, %dot_general3A_152 : vector<512x1024xf32>
    %sub3A_162 = arith.subf %add3A_158, %mul3A_161 : vector<512x1024xf32>
    %reduce_min3A_163 = arith.constant dense<0x7F800000> : vector<512xf32>
    %reduce_min3A_164 = vector.multi_reduction <minimumf>, %sub3A_162, %reduce_min3A_163 [1] : vector<512x1024xf32> to vector<512xf32>
    %broadcast_in_dim3A_165 = vector.shape_cast %reduce_min3A_164 : vector<512xf32> to vector<512x1xf32>
    %iota3A_166 = tpu.iota {dimensions = array<i32: 1>} : vector<512x1024xi32>
    %eq3A_167 = vector.broadcast %broadcast_in_dim3A_165 : vector<512x1xf32> to vector<512x1024xf32>
    %eq3A_168 = arith.cmpf oeq, %sub3A_162, %eq3A_167 : vector<512x1024xf32>
    %jit3A_169 = arith.constant 1024 : i32
    %broadcast_in_dim3A_170 = vector.broadcast %jit3A_169 : i32 to vector<512x1024xi32>
    %select_n3A_171 = arith.select %eq3A_168, %iota3A_166, %broadcast_in_dim3A_170 : vector<512x1024xi1>, vector<512x1024xi32>
    %reduce_min3A_172 = arith.constant dense<2147483647> : vector<512xi32>
    %reduce_min3A_173 = vector.multi_reduction <minsi>, %select_n3A_171, %reduce_min3A_172 [1] : vector<512x1024xi32> to vector<512xi32>
    %broadcast_in_dim3A_174 = vector.shape_cast %reduce_min3A_173 : vector<512xi32> to vector<512x1xi32>
    %add3A_175 = arith.constant 4096 : i32
    %add3A_176 = vector.broadcast %add3A_175 : i32 to vector<512x1xi32>
    %add3A_177 = arith.addi %broadcast_in_dim3A_174, %add3A_176 : vector<512x1xi32>
    %lt3A_178 = arith.cmpf olt, %broadcast_in_dim3A_165, %select_n3A_146 : vector<512x1xf32>
    %select_n3A_179 = arith.select %lt3A_178, %broadcast_in_dim3A_165, %select_n3A_146 : vector<512x1xi1>, vector<512x1xf32>
    %select_n3A_180 = arith.select %lt3A_178, %add3A_177, %select_n3A_147 : vector<512x1xi1>, vector<512x1xi32>
    %get3A_181 = arith.constant 5120 : index
    %get3A_182 = arith.constant 0 : index
    %get3A_183 = vector.load %arg6[%get3A_181, %get3A_182] : memref<8192x256xf32, #tpu.memory_space<vmem>>, vector<1024x256xf32>
    %dot_general3A_184 = arith.constant dense<0.000000e+00> : vector<512x1024xf32>
    %dot_general3A_185 = tpu.matmul %add3A_21, %get3A_183, %dot_general3A_184 {dimension_numbers = #tpu.dot_dimension_numbers<[1], [1], [0], [0], [0, 0, 1, 0], [], []>, transpose_lhs_hint = false} : vector<512x256xf32>, vector<1024x256xf32>, vector<512x1024xf32> -> vector<512x1024xf32>
    %get3A_186 = arith.constant 5 : index
    %get3A_187 = arith.constant 0 : index
    %get3A_188 = vector.load %arg9[%get3A_186, %get3A_187] : memref<8x1024xf32, #tpu.memory_space<vmem>>, vector<1x1024xf32>
    %add3A_189 = vector.broadcast %broadcast_in_dim3A : vector<512x1xf32> to vector<512x1024xf32>
    %add3A_190 = vector.broadcast %get3A_188 : vector<1x1024xf32> to vector<512x1024xf32>
    %add3A_191 = arith.addf %add3A_189, %add3A_190 : vector<512x1024xf32>
    %mul3A_192 = arith.constant 2.000000e+00 : f32
    %mul3A_193 = vector.broadcast %mul3A_192 : f32 to vector<512x1024xf32>
    %mul3A_194 = arith.mulf %mul3A_193, %dot_general3A_185 : vector<512x1024xf32>
    %sub3A_195 = arith.subf %add3A_191, %mul3A_194 : vector<512x1024xf32>
    %reduce_min3A_196 = arith.constant dense<0x7F800000> : vector<512xf32>
    %reduce_min3A_197 = vector.multi_reduction <minimumf>, %sub3A_195, %reduce_min3A_196 [1] : vector<512x1024xf32> to vector<512xf32>
    %broadcast_in_dim3A_198 = vector.shape_cast %reduce_min3A_197 : vector<512xf32> to vector<512x1xf32>
    %iota3A_199 = tpu.iota {dimensions = array<i32: 1>} : vector<512x1024xi32>
    %eq3A_200 = vector.broadcast %broadcast_in_dim3A_198 : vector<512x1xf32> to vector<512x1024xf32>
    %eq3A_201 = arith.cmpf oeq, %sub3A_195, %eq3A_200 : vector<512x1024xf32>
    %jit3A_202 = arith.constant 1024 : i32
    %broadcast_in_dim3A_203 = vector.broadcast %jit3A_202 : i32 to vector<512x1024xi32>
    %select_n3A_204 = arith.select %eq3A_201, %iota3A_199, %broadcast_in_dim3A_203 : vector<512x1024xi1>, vector<512x1024xi32>
    %reduce_min3A_205 = arith.constant dense<2147483647> : vector<512xi32>
    %reduce_min3A_206 = vector.multi_reduction <minsi>, %select_n3A_204, %reduce_min3A_205 [1] : vector<512x1024xi32> to vector<512xi32>
    %broadcast_in_dim3A_207 = vector.shape_cast %reduce_min3A_206 : vector<512xi32> to vector<512x1xi32>
    %add3A_208 = arith.constant 5120 : i32
    %add3A_209 = vector.broadcast %add3A_208 : i32 to vector<512x1xi32>
    %add3A_210 = arith.addi %broadcast_in_dim3A_207, %add3A_209 : vector<512x1xi32>
    %lt3A_211 = arith.cmpf olt, %broadcast_in_dim3A_198, %select_n3A_179 : vector<512x1xf32>
    %select_n3A_212 = arith.select %lt3A_211, %broadcast_in_dim3A_198, %select_n3A_179 : vector<512x1xi1>, vector<512x1xf32>
    %select_n3A_213 = arith.select %lt3A_211, %add3A_210, %select_n3A_180 : vector<512x1xi1>, vector<512x1xi32>
    %get3A_214 = arith.constant 6144 : index
    %get3A_215 = arith.constant 0 : index
    %get3A_216 = vector.load %arg6[%get3A_214, %get3A_215] : memref<8192x256xf32, #tpu.memory_space<vmem>>, vector<1024x256xf32>
    %dot_general3A_217 = arith.constant dense<0.000000e+00> : vector<512x1024xf32>
    %dot_general3A_218 = tpu.matmul %add3A_21, %get3A_216, %dot_general3A_217 {dimension_numbers = #tpu.dot_dimension_numbers<[1], [1], [0], [0], [0, 0, 1, 0], [], []>, transpose_lhs_hint = false} : vector<512x256xf32>, vector<1024x256xf32>, vector<512x1024xf32> -> vector<512x1024xf32>
    %get3A_219 = arith.constant 6 : index
    %get3A_220 = arith.constant 0 : index
    %get3A_221 = vector.load %arg9[%get3A_219, %get3A_220] : memref<8x1024xf32, #tpu.memory_space<vmem>>, vector<1x1024xf32>
    %add3A_222 = vector.broadcast %broadcast_in_dim3A : vector<512x1xf32> to vector<512x1024xf32>
    %add3A_223 = vector.broadcast %get3A_221 : vector<1x1024xf32> to vector<512x1024xf32>
    %add3A_224 = arith.addf %add3A_222, %add3A_223 : vector<512x1024xf32>
    %mul3A_225 = arith.constant 2.000000e+00 : f32
    %mul3A_226 = vector.broadcast %mul3A_225 : f32 to vector<512x1024xf32>
    %mul3A_227 = arith.mulf %mul3A_226, %dot_general3A_218 : vector<512x1024xf32>
    %sub3A_228 = arith.subf %add3A_224, %mul3A_227 : vector<512x1024xf32>
    %reduce_min3A_229 = arith.constant dense<0x7F800000> : vector<512xf32>
    %reduce_min3A_230 = vector.multi_reduction <minimumf>, %sub3A_228, %reduce_min3A_229 [1] : vector<512x1024xf32> to vector<512xf32>
    %broadcast_in_dim3A_231 = vector.shape_cast %reduce_min3A_230 : vector<512xf32> to vector<512x1xf32>
    %iota3A_232 = tpu.iota {dimensions = array<i32: 1>} : vector<512x1024xi32>
    %eq3A_233 = vector.broadcast %broadcast_in_dim3A_231 : vector<512x1xf32> to vector<512x1024xf32>
    %eq3A_234 = arith.cmpf oeq, %sub3A_228, %eq3A_233 : vector<512x1024xf32>
    %jit3A_235 = arith.constant 1024 : i32
    %broadcast_in_dim3A_236 = vector.broadcast %jit3A_235 : i32 to vector<512x1024xi32>
    %select_n3A_237 = arith.select %eq3A_234, %iota3A_232, %broadcast_in_dim3A_236 : vector<512x1024xi1>, vector<512x1024xi32>
    %reduce_min3A_238 = arith.constant dense<2147483647> : vector<512xi32>
    %reduce_min3A_239 = vector.multi_reduction <minsi>, %select_n3A_237, %reduce_min3A_238 [1] : vector<512x1024xi32> to vector<512xi32>
    %broadcast_in_dim3A_240 = vector.shape_cast %reduce_min3A_239 : vector<512xi32> to vector<512x1xi32>
    %add3A_241 = arith.constant 6144 : i32
    %add3A_242 = vector.broadcast %add3A_241 : i32 to vector<512x1xi32>
    %add3A_243 = arith.addi %broadcast_in_dim3A_240, %add3A_242 : vector<512x1xi32>
    %lt3A_244 = arith.cmpf olt, %broadcast_in_dim3A_231, %select_n3A_212 : vector<512x1xf32>
    %select_n3A_245 = arith.select %lt3A_244, %broadcast_in_dim3A_231, %select_n3A_212 : vector<512x1xi1>, vector<512x1xf32>
    %select_n3A_246 = arith.select %lt3A_244, %add3A_243, %select_n3A_213 : vector<512x1xi1>, vector<512x1xi32>
    %get3A_247 = arith.constant 7168 : index
    %get3A_248 = arith.constant 0 : index
    %get3A_249 = vector.load %arg6[%get3A_247, %get3A_248] : memref<8192x256xf32, #tpu.memory_space<vmem>>, vector<1024x256xf32>
    %dot_general3A_250 = arith.constant dense<0.000000e+00> : vector<512x1024xf32>
    %dot_general3A_251 = tpu.matmul %add3A_21, %get3A_249, %dot_general3A_250 {dimension_numbers = #tpu.dot_dimension_numbers<[1], [1], [0], [0], [0, 0, 1, 0], [], []>, transpose_lhs_hint = false} : vector<512x256xf32>, vector<1024x256xf32>, vector<512x1024xf32> -> vector<512x1024xf32>
    %get3A_252 = arith.constant 7 : index
    %get3A_253 = arith.constant 0 : index
    %get3A_254 = vector.load %arg9[%get3A_252, %get3A_253] : memref<8x1024xf32, #tpu.memory_space<vmem>>, vector<1x1024xf32>
    %add3A_255 = vector.broadcast %broadcast_in_dim3A : vector<512x1xf32> to vector<512x1024xf32>
    %add3A_256 = vector.broadcast %get3A_254 : vector<1x1024xf32> to vector<512x1024xf32>
    %add3A_257 = arith.addf %add3A_255, %add3A_256 : vector<512x1024xf32>
    %mul3A_258 = arith.constant 2.000000e+00 : f32
    %mul3A_259 = vector.broadcast %mul3A_258 : f32 to vector<512x1024xf32>
    %mul3A_260 = arith.mulf %mul3A_259, %dot_general3A_251 : vector<512x1024xf32>
    %sub3A_261 = arith.subf %add3A_257, %mul3A_260 : vector<512x1024xf32>
    %reduce_min3A_262 = arith.constant dense<0x7F800000> : vector<512xf32>
    %reduce_min3A_263 = vector.multi_reduction <minimumf>, %sub3A_261, %reduce_min3A_262 [1] : vector<512x1024xf32> to vector<512xf32>
    %broadcast_in_dim3A_264 = vector.shape_cast %reduce_min3A_263 : vector<512xf32> to vector<512x1xf32>
    %iota3A_265 = tpu.iota {dimensions = array<i32: 1>} : vector<512x1024xi32>
    %eq3A_266 = vector.broadcast %broadcast_in_dim3A_264 : vector<512x1xf32> to vector<512x1024xf32>
    %eq3A_267 = arith.cmpf oeq, %sub3A_261, %eq3A_266 : vector<512x1024xf32>
    %jit3A_268 = arith.constant 1024 : i32
    %broadcast_in_dim3A_269 = vector.broadcast %jit3A_268 : i32 to vector<512x1024xi32>
    %select_n3A_270 = arith.select %eq3A_267, %iota3A_265, %broadcast_in_dim3A_269 : vector<512x1024xi1>, vector<512x1024xi32>
    %reduce_min3A_271 = arith.constant dense<2147483647> : vector<512xi32>
    %reduce_min3A_272 = vector.multi_reduction <minsi>, %select_n3A_270, %reduce_min3A_271 [1] : vector<512x1024xi32> to vector<512xi32>
    %broadcast_in_dim3A_273 = vector.shape_cast %reduce_min3A_272 : vector<512xi32> to vector<512x1xi32>
    %add3A_274 = arith.constant 7168 : i32
    %add3A_275 = vector.broadcast %add3A_274 : i32 to vector<512x1xi32>
    %add3A_276 = arith.addi %broadcast_in_dim3A_273, %add3A_275 : vector<512x1xi32>
    %lt3A_277 = arith.cmpf olt, %broadcast_in_dim3A_264, %select_n3A_245 : vector<512x1xf32>
    %select_n3A_278 = arith.select %lt3A_277, %add3A_276, %select_n3A_246 : vector<512x1xi1>, vector<512x1xi32>
    %swap3A_279 = arith.constant 0 : index
    %swap3A_280 = arith.constant 0 : index
    %swap3A_281 = vector.load %arg8[%swap3A_279, %swap3A_280] : memref<512x1xi32, #tpu.memory_space<vmem>>, vector<512x1xi32>
    tpu.vector_store %arg8[%swap3A_279, %swap3A_280], %select_n3A_278 {strides = array<i32>} : memref<512x1xi32, #tpu.memory_space<vmem>>, vector<512x1xi32>,
    return
  }
  func.func @transform_0(%arg0: i32) -> (i32, i32) {
    %c0_i32 = arith.constant 0 : i32
    %c0_i32_0 = arith.constant 0 : i32
    return %arg0, %c0_i32 : i32, i32
  }
  func.func @transform_1(%arg0: i32) -> (i32, i32) {
    %c0_i32 = arith.constant 0 : i32
    %c0_i32_0 = arith.constant 0 : i32
    %c0_i32_1 = arith.constant 0 : i32
    return %c0_i32, %c0_i32_0 : i32, i32
  }
  func.func @transform_2(%arg0: i32) -> (i32, i32) {
    %c0_i32 = arith.constant 0 : i32
    %c0_i32_0 = arith.constant 0 : i32
    %c0_i32_1 = arith.constant 0 : i32
    return %c0_i32, %c0_i32_0 : i32, i32
  }
  func.func @transform_3(%arg0: i32) -> (i32, i32) {
    %c0_i32 = arith.constant 0 : i32
    %c0_i32_0 = arith.constant 0 : i32
    %c0_i32_1 = arith.constant 0 : i32
    return %c0_i32, %c0_i32_0 : i32, i32
  }
  func.func @transform_4(%arg0: i32) -> (i32, i32) {
    %c0_i32 = arith.constant 0 : i32
    %c0_i32_0 = arith.constant 0 : i32
    %c0_i32_1 = arith.constant 0 : i32
    return %c0_i32, %c0_i32_0 : i32, i32
  }
  func.func @transform_5(%arg0: i32) -> (i32, i32) {
    %c0_i32 = arith.constant 0 : i32
    %c0_i32_0 = arith.constant 0 : i32
    %c0_i32_1 = arith.constant 0 : i32
    return %c0_i32, %c0_i32_0 : i32, i32
  }
  func.func @transform_6(%arg0: i32) -> (i32, i32) {
    %c0_i32 = arith.constant 0 : i32
    %c0_i32_0 = arith.constant 0 : i32
    return %arg0, %c0_i32 : i32, i32
  }
  func.func @transform_7(%arg0: i32) -> (i32, i32) {
    %c0_i32 = arith.constant 0 : i32
    %c0_i32_0 = arith.constant 0 : i32
    return %arg0, %c0_i32 : i32, i32
  }
}

module attributes {stable_mosaic.version = 14 : i64} {
  func.func @_tail_body(%arg0: i32, %arg1: memref<512x256xf32, #tpu.memory_space<vmem>>, %arg2: memref<512x256xf32, #tpu.memory_space<vmem>>, %arg3: memref<512x1xi32, #tpu.memory_space<vmem>>, %arg4: memref<4x256x1000xf32, #tpu.memory_space<vmem>>, %arg5: memref<4x1x1000xf32, #tpu.memory_space<vmem>>, %arg6: memref<512x256xf32, #tpu.memory_space<vmem>>, %arg7: memref<512x4000xf32, #tpu.memory_space<vmem>>, %arg8: memref<1x1xf32, #tpu.memory_space<vmem>>, %arg9: memref<1x1xf32, #tpu.memory_space<vmem>>, %arg10: memref<1x1xf32, #tpu.memory_space<smem>>, %arg11: memref<8x1024xf32, #tpu.memory_space<vmem>>) attributes {dimension_semantics = [#tpu.dimension_semantics<arbitrary>], iteration_bounds = array<i64: 8>, scalar_prefetch = 0 : i64, scratch_operands = 2 : i64, tpu.core_type = #tpu.core_type<tc>, window_params = [{transform_indices = @transform_0, window_bounds = array<i64: 512, 256>}, {transform_indices = @transform_1, window_bounds = array<i64: 512, 256>}, {transform_indices = @transform_2, window_bounds = array<i64: 512, 1>}, {pipeline_mode = #tpu.pipeline_mode<synchronous>, transform_indices = @transform_3, window_bounds = array<i64: 4, 256, 1000>}, {pipeline_mode = #tpu.pipeline_mode<synchronous>, transform_indices = @transform_4, window_bounds = array<i64: 4, 1, 1000>}, {transform_indices = @transform_5, window_bounds = array<i64: 512, 256>}, {transform_indices = @transform_6, window_bounds = array<i64: 512, 4000>}, {pipeline_mode = #tpu.pipeline_mode<synchronous>, transform_indices = @transform_7, window_bounds = array<i64: 1, 1>}, {pipeline_mode = #tpu.pipeline_mode<synchronous>, transform_indices = @transform_8, window_bounds = array<i64: 1, 1>}]} {
    %get3A = arith.constant 0 : index
    %get3A_0 = arith.constant 0 : index
    %get3A_1 = vector.load %arg1[%get3A, %get3A_0] : memref<512x256xf32, #tpu.memory_space<vmem>>, vector<512x256xf32>
    %get3A_2 = arith.constant 0 : index
    %get3A_3 = arith.constant 0 : index
    %get3A_4 = vector.load %arg2[%get3A_2, %get3A_3] : memref<512x256xf32, #tpu.memory_space<vmem>>, vector<512x256xf32>
    %sub3A = arith.subf %get3A_4, %get3A_1 : vector<512x256xf32>
    %add3A = arith.addf %get3A_1, %sub3A : vector<512x256xf32>
    %swap3A = arith.constant 0 : index
    %swap3A_5 = arith.constant 0 : index
    %swap3A_6 = vector.load %arg6[%swap3A, %swap3A_5] : memref<512x256xf32, #tpu.memory_space<vmem>>, vector<512x256xf32>
    tpu.vector_store %arg6[%swap3A, %swap3A_5], %add3A {strides = array<i32>} : memref<512x256xf32, #tpu.memory_space<vmem>>, vector<512x256xf32>,
    %sub3A_7 = arith.subf %get3A_1, %get3A_4 : vector<512x256xf32>
    %mul3A = arith.mulf %sub3A_7, %sub3A_7 : vector<512x256xf32>
    %reduce_sum3A = vector.shape_cast %mul3A : vector<512x256xf32> to vector<1x512x256xf32>
    %reduce_sum3A_8 = arith.constant dense<0.000000e+00> : vector<1xf32>
    %reduce_sum3A_9 = vector.multi_reduction <add>, %reduce_sum3A, %reduce_sum3A_8 [1, 2] : vector<1x512x256xf32> to vector<1xf32>
    %reduce_sum3A_10 = vector.shape_cast %reduce_sum3A_9 : vector<1xf32> to vector<1x1x1xf32>
    %reduce_sum3A_11 = vector.extract %reduce_sum3A_10[0, 0, 0] : f32 from vector<1x1x1xf32>
    %eq3A = arith.constant 0 : i32
    %eq3A_12 = arith.cmpi eq, %arg0, %eq3A : i32
    %convert_element_type3A = arith.extui %eq3A_12 : i1 to i32
    %cond3A = arith.constant 0 : i32
    %cond3A_13 = arith.cmpi ne, %convert_element_type3A, %cond3A : i32
    scf.if %cond3A_13 {
      %swap3A_229 = arith.constant 0.000000e+00 : f32
      %swap3A_230 = arith.constant 0 : index
      %swap3A_231 = arith.constant 0 : index
      %swap3A_232 = memref.load %arg10[%swap3A_230, %swap3A_231] : memref<1x1xf32, #tpu.memory_space<smem>>
      memref.store %swap3A_229, %arg10[%swap3A_230, %swap3A_231] : memref<1x1xf32, #tpu.memory_space<smem>>
      %broadcast_in_dim3A_233 = arith.constant 0.000000e+00 : f32
      %broadcast_in_dim3A_234 = vector.broadcast %broadcast_in_dim3A_233 : f32 to vector<8x1024xf32>
      %swap3A_235 = arith.constant 0 : index
      %swap3A_236 = arith.constant 0 : index
      %swap3A_237 = vector.load %arg11[%swap3A_235, %swap3A_236] : memref<8x1024xf32, #tpu.memory_space<vmem>>, vector<8x1024xf32>
      tpu.vector_store %arg11[%swap3A_235, %swap3A_236], %broadcast_in_dim3A_234 {strides = array<i32>} : memref<8x1024xf32, #tpu.memory_space<vmem>>, vector<8x1024xf32>,
    } else {
    }
    %get3A_14 = arith.constant 0 : index
    %get3A_15 = arith.constant 0 : index
    %get3A_16 = memref.load %arg10[%get3A_14, %get3A_15] : memref<1x1xf32, #tpu.memory_space<smem>>
    %add3A_17 = arith.addf %get3A_16, %reduce_sum3A_11 : f32
    %swap3A_18 = arith.constant 0 : index
    %swap3A_19 = arith.constant 0 : index
    %swap3A_20 = memref.load %arg10[%swap3A_18, %swap3A_19] : memref<1x1xf32, #tpu.memory_space<smem>>
    memref.store %add3A_17, %arg10[%swap3A_18, %swap3A_19] : memref<1x1xf32, #tpu.memory_space<smem>>
    %get3A_21 = arith.constant 0 : index
    %get3A_22 = arith.constant 0 : index
    %get3A_23 = vector.load %arg3[%get3A_21, %get3A_22] : memref<512x1xi32, #tpu.memory_space<vmem>>, vector<512x1xi32>
    %iota3A = tpu.iota {dimensions = array<i32: 1>} : vector<512x1024xi32>
    %add3A_24 = arith.constant 0 : i32
    %add3A_25 = vector.broadcast %add3A_24 : i32 to vector<512x1024xi32>
    %add3A_26 = arith.addi %iota3A, %add3A_25 : vector<512x1024xi32>
    %eq3A_27 = vector.broadcast %get3A_23 : vector<512x1xi32> to vector<512x1024xi32>
    %eq3A_28 = arith.cmpi eq, %eq3A_27, %add3A_26 : vector<512x1024xi32>
    %convert_element_type3A_29 = arith.extui %eq3A_28 : vector<512x1024xi1> to vector<512x1024xi32>
    %convert_element_type3A_30 = arith.sitofp %convert_element_type3A_29 : vector<512x1024xi32> to vector<512x1024xf32>
    %get3A_31 = arith.constant 0 : index
    %get3A_32 = arith.constant 0 : index
    %get3A_33 = vector.load %arg11[%get3A_31, %get3A_32] : memref<8x1024xf32, #tpu.memory_space<vmem>>, vector<1x1024xf32>
    %reduce_sum3A_34 = arith.constant dense<0.000000e+00> : vector<1024xf32>
    %reduce_sum3A_35 = vector.multi_reduction <add>, %convert_element_type3A_30, %reduce_sum3A_34 [0] : vector<512x1024xf32> to vector<1024xf32>
    %broadcast_in_dim3A = vector.shape_cast %reduce_sum3A_35 : vector<1024xf32> to vector<1x1024xf32>
    %add3A_36 = arith.addf %get3A_33, %broadcast_in_dim3A : vector<1x1024xf32>
    %swap3A_37 = arith.constant 0 : index
    %swap3A_38 = arith.constant 0 : index
    %swap3A_39 = vector.load %arg11[%swap3A_37, %swap3A_38] : memref<8x1024xf32, #tpu.memory_space<vmem>>, vector<1x1024xf32>
    tpu.vector_store %arg11[%swap3A_37, %swap3A_38], %add3A_36 {strides = array<i32>} : memref<8x1024xf32, #tpu.memory_space<vmem>>, vector<1x1024xf32>,
    %iota3A_40 = tpu.iota {dimensions = array<i32: 1>} : vector<512x1024xi32>
    %add3A_41 = arith.constant 1024 : i32
    %add3A_42 = vector.broadcast %add3A_41 : i32 to vector<512x1024xi32>
    %add3A_43 = arith.addi %iota3A_40, %add3A_42 : vector<512x1024xi32>
    %eq3A_44 = vector.broadcast %get3A_23 : vector<512x1xi32> to vector<512x1024xi32>
    %eq3A_45 = arith.cmpi eq, %eq3A_44, %add3A_43 : vector<512x1024xi32>
    %convert_element_type3A_46 = arith.extui %eq3A_45 : vector<512x1024xi1> to vector<512x1024xi32>
    %convert_element_type3A_47 = arith.sitofp %convert_element_type3A_46 : vector<512x1024xi32> to vector<512x1024xf32>
    %get3A_48 = arith.constant 1 : index
    %get3A_49 = arith.constant 0 : index
    %get3A_50 = vector.load %arg11[%get3A_48, %get3A_49] : memref<8x1024xf32, #tpu.memory_space<vmem>>, vector<1x1024xf32>
    %reduce_sum3A_51 = arith.constant dense<0.000000e+00> : vector<1024xf32>
    %reduce_sum3A_52 = vector.multi_reduction <add>, %convert_element_type3A_47, %reduce_sum3A_51 [0] : vector<512x1024xf32> to vector<1024xf32>
    %broadcast_in_dim3A_53 = vector.shape_cast %reduce_sum3A_52 : vector<1024xf32> to vector<1x1024xf32>
    %add3A_54 = arith.addf %get3A_50, %broadcast_in_dim3A_53 : vector<1x1024xf32>
    %swap3A_55 = arith.constant 1 : index
    %swap3A_56 = arith.constant 0 : index
    %swap3A_57 = vector.load %arg11[%swap3A_55, %swap3A_56] : memref<8x1024xf32, #tpu.memory_space<vmem>>, vector<1x1024xf32>
    tpu.vector_store %arg11[%swap3A_55, %swap3A_56], %add3A_54 {strides = array<i32>} : memref<8x1024xf32, #tpu.memory_space<vmem>>, vector<1x1024xf32>,
    %iota3A_58 = tpu.iota {dimensions = array<i32: 1>} : vector<512x1024xi32>
    %add3A_59 = arith.constant 2048 : i32
    %add3A_60 = vector.broadcast %add3A_59 : i32 to vector<512x1024xi32>
    %add3A_61 = arith.addi %iota3A_58, %add3A_60 : vector<512x1024xi32>
    %eq3A_62 = vector.broadcast %get3A_23 : vector<512x1xi32> to vector<512x1024xi32>
    %eq3A_63 = arith.cmpi eq, %eq3A_62, %add3A_61 : vector<512x1024xi32>
    %convert_element_type3A_64 = arith.extui %eq3A_63 : vector<512x1024xi1> to vector<512x1024xi32>
    %convert_element_type3A_65 = arith.sitofp %convert_element_type3A_64 : vector<512x1024xi32> to vector<512x1024xf32>
    %get3A_66 = arith.constant 2 : index
    %get3A_67 = arith.constant 0 : index
    %get3A_68 = vector.load %arg11[%get3A_66, %get3A_67] : memref<8x1024xf32, #tpu.memory_space<vmem>>, vector<1x1024xf32>
    %reduce_sum3A_69 = arith.constant dense<0.000000e+00> : vector<1024xf32>
    %reduce_sum3A_70 = vector.multi_reduction <add>, %convert_element_type3A_65, %reduce_sum3A_69 [0] : vector<512x1024xf32> to vector<1024xf32>
    %broadcast_in_dim3A_71 = vector.shape_cast %reduce_sum3A_70 : vector<1024xf32> to vector<1x1024xf32>
    %add3A_72 = arith.addf %get3A_68, %broadcast_in_dim3A_71 : vector<1x1024xf32>
    %swap3A_73 = arith.constant 2 : index
    %swap3A_74 = arith.constant 0 : index
    %swap3A_75 = vector.load %arg11[%swap3A_73, %swap3A_74] : memref<8x1024xf32, #tpu.memory_space<vmem>>, vector<1x1024xf32>
    tpu.vector_store %arg11[%swap3A_73, %swap3A_74], %add3A_72 {strides = array<i32>} : memref<8x1024xf32, #tpu.memory_space<vmem>>, vector<1x1024xf32>,
    %iota3A_76 = tpu.iota {dimensions = array<i32: 1>} : vector<512x1024xi32>
    %add3A_77 = arith.constant 3072 : i32
    %add3A_78 = vector.broadcast %add3A_77 : i32 to vector<512x1024xi32>
    %add3A_79 = arith.addi %iota3A_76, %add3A_78 : vector<512x1024xi32>
    %eq3A_80 = vector.broadcast %get3A_23 : vector<512x1xi32> to vector<512x1024xi32>
    %eq3A_81 = arith.cmpi eq, %eq3A_80, %add3A_79 : vector<512x1024xi32>
    %convert_element_type3A_82 = arith.extui %eq3A_81 : vector<512x1024xi1> to vector<512x1024xi32>
    %convert_element_type3A_83 = arith.sitofp %convert_element_type3A_82 : vector<512x1024xi32> to vector<512x1024xf32>
    %get3A_84 = arith.constant 3 : index
    %get3A_85 = arith.constant 0 : index
    %get3A_86 = vector.load %arg11[%get3A_84, %get3A_85] : memref<8x1024xf32, #tpu.memory_space<vmem>>, vector<1x1024xf32>
    %reduce_sum3A_87 = arith.constant dense<0.000000e+00> : vector<1024xf32>
    %reduce_sum3A_88 = vector.multi_reduction <add>, %convert_element_type3A_83, %reduce_sum3A_87 [0] : vector<512x1024xf32> to vector<1024xf32>
    %broadcast_in_dim3A_89 = vector.shape_cast %reduce_sum3A_88 : vector<1024xf32> to vector<1x1024xf32>
    %add3A_90 = arith.addf %get3A_86, %broadcast_in_dim3A_89 : vector<1x1024xf32>
    %swap3A_91 = arith.constant 3 : index
    %swap3A_92 = arith.constant 0 : index
    %swap3A_93 = vector.load %arg11[%swap3A_91, %swap3A_92] : memref<8x1024xf32, #tpu.memory_space<vmem>>, vector<1x1024xf32>
    tpu.vector_store %arg11[%swap3A_91, %swap3A_92], %add3A_90 {strides = array<i32>} : memref<8x1024xf32, #tpu.memory_space<vmem>>, vector<1x1024xf32>,
    %iota3A_94 = tpu.iota {dimensions = array<i32: 1>} : vector<512x1024xi32>
    %add3A_95 = arith.constant 4096 : i32
    %add3A_96 = vector.broadcast %add3A_95 : i32 to vector<512x1024xi32>
    %add3A_97 = arith.addi %iota3A_94, %add3A_96 : vector<512x1024xi32>
    %eq3A_98 = vector.broadcast %get3A_23 : vector<512x1xi32> to vector<512x1024xi32>
    %eq3A_99 = arith.cmpi eq, %eq3A_98, %add3A_97 : vector<512x1024xi32>
    %convert_element_type3A_100 = arith.extui %eq3A_99 : vector<512x1024xi1> to vector<512x1024xi32>
    %convert_element_type3A_101 = arith.sitofp %convert_element_type3A_100 : vector<512x1024xi32> to vector<512x1024xf32>
    %get3A_102 = arith.constant 4 : index
    %get3A_103 = arith.constant 0 : index
    %get3A_104 = vector.load %arg11[%get3A_102, %get3A_103] : memref<8x1024xf32, #tpu.memory_space<vmem>>, vector<1x1024xf32>
    %reduce_sum3A_105 = arith.constant dense<0.000000e+00> : vector<1024xf32>
    %reduce_sum3A_106 = vector.multi_reduction <add>, %convert_element_type3A_101, %reduce_sum3A_105 [0] : vector<512x1024xf32> to vector<1024xf32>
    %broadcast_in_dim3A_107 = vector.shape_cast %reduce_sum3A_106 : vector<1024xf32> to vector<1x1024xf32>
    %add3A_108 = arith.addf %get3A_104, %broadcast_in_dim3A_107 : vector<1x1024xf32>
    %swap3A_109 = arith.constant 4 : index
    %swap3A_110 = arith.constant 0 : index
    %swap3A_111 = vector.load %arg11[%swap3A_109, %swap3A_110] : memref<8x1024xf32, #tpu.memory_space<vmem>>, vector<1x1024xf32>
    tpu.vector_store %arg11[%swap3A_109, %swap3A_110], %add3A_108 {strides = array<i32>} : memref<8x1024xf32, #tpu.memory_space<vmem>>, vector<1x1024xf32>,
    %iota3A_112 = tpu.iota {dimensions = array<i32: 1>} : vector<512x1024xi32>
    %add3A_113 = arith.constant 5120 : i32
    %add3A_114 = vector.broadcast %add3A_113 : i32 to vector<512x1024xi32>
    %add3A_115 = arith.addi %iota3A_112, %add3A_114 : vector<512x1024xi32>
    %eq3A_116 = vector.broadcast %get3A_23 : vector<512x1xi32> to vector<512x1024xi32>
    %eq3A_117 = arith.cmpi eq, %eq3A_116, %add3A_115 : vector<512x1024xi32>
    %convert_element_type3A_118 = arith.extui %eq3A_117 : vector<512x1024xi1> to vector<512x1024xi32>
    %convert_element_type3A_119 = arith.sitofp %convert_element_type3A_118 : vector<512x1024xi32> to vector<512x1024xf32>
    %get3A_120 = arith.constant 5 : index
    %get3A_121 = arith.constant 0 : index
    %get3A_122 = vector.load %arg11[%get3A_120, %get3A_121] : memref<8x1024xf32, #tpu.memory_space<vmem>>, vector<1x1024xf32>
    %reduce_sum3A_123 = arith.constant dense<0.000000e+00> : vector<1024xf32>
    %reduce_sum3A_124 = vector.multi_reduction <add>, %convert_element_type3A_119, %reduce_sum3A_123 [0] : vector<512x1024xf32> to vector<1024xf32>
    %broadcast_in_dim3A_125 = vector.shape_cast %reduce_sum3A_124 : vector<1024xf32> to vector<1x1024xf32>
    %add3A_126 = arith.addf %get3A_122, %broadcast_in_dim3A_125 : vector<1x1024xf32>
    %swap3A_127 = arith.constant 5 : index
    %swap3A_128 = arith.constant 0 : index
    %swap3A_129 = vector.load %arg11[%swap3A_127, %swap3A_128] : memref<8x1024xf32, #tpu.memory_space<vmem>>, vector<1x1024xf32>
    tpu.vector_store %arg11[%swap3A_127, %swap3A_128], %add3A_126 {strides = array<i32>} : memref<8x1024xf32, #tpu.memory_space<vmem>>, vector<1x1024xf32>,
    %iota3A_130 = tpu.iota {dimensions = array<i32: 1>} : vector<512x1024xi32>
    %add3A_131 = arith.constant 6144 : i32
    %add3A_132 = vector.broadcast %add3A_131 : i32 to vector<512x1024xi32>
    %add3A_133 = arith.addi %iota3A_130, %add3A_132 : vector<512x1024xi32>
    %eq3A_134 = vector.broadcast %get3A_23 : vector<512x1xi32> to vector<512x1024xi32>
    %eq3A_135 = arith.cmpi eq, %eq3A_134, %add3A_133 : vector<512x1024xi32>
    %convert_element_type3A_136 = arith.extui %eq3A_135 : vector<512x1024xi1> to vector<512x1024xi32>
    %convert_element_type3A_137 = arith.sitofp %convert_element_type3A_136 : vector<512x1024xi32> to vector<512x1024xf32>
    %get3A_138 = arith.constant 6 : index
    %get3A_139 = arith.constant 0 : index
    %get3A_140 = vector.load %arg11[%get3A_138, %get3A_139] : memref<8x1024xf32, #tpu.memory_space<vmem>>, vector<1x1024xf32>
    %reduce_sum3A_141 = arith.constant dense<0.000000e+00> : vector<1024xf32>
    %reduce_sum3A_142 = vector.multi_reduction <add>, %convert_element_type3A_137, %reduce_sum3A_141 [0] : vector<512x1024xf32> to vector<1024xf32>
    %broadcast_in_dim3A_143 = vector.shape_cast %reduce_sum3A_142 : vector<1024xf32> to vector<1x1024xf32>
    %add3A_144 = arith.addf %get3A_140, %broadcast_in_dim3A_143 : vector<1x1024xf32>
    %swap3A_145 = arith.constant 6 : index
    %swap3A_146 = arith.constant 0 : index
    %swap3A_147 = vector.load %arg11[%swap3A_145, %swap3A_146] : memref<8x1024xf32, #tpu.memory_space<vmem>>, vector<1x1024xf32>
    tpu.vector_store %arg11[%swap3A_145, %swap3A_146], %add3A_144 {strides = array<i32>} : memref<8x1024xf32, #tpu.memory_space<vmem>>, vector<1x1024xf32>,
    %iota3A_148 = tpu.iota {dimensions = array<i32: 1>} : vector<512x1024xi32>
    %add3A_149 = arith.constant 7168 : i32
    %add3A_150 = vector.broadcast %add3A_149 : i32 to vector<512x1024xi32>
    %add3A_151 = arith.addi %iota3A_148, %add3A_150 : vector<512x1024xi32>
    %eq3A_152 = vector.broadcast %get3A_23 : vector<512x1xi32> to vector<512x1024xi32>
    %eq3A_153 = arith.cmpi eq, %eq3A_152, %add3A_151 : vector<512x1024xi32>
    %convert_element_type3A_154 = arith.extui %eq3A_153 : vector<512x1024xi1> to vector<512x1024xi32>
    %convert_element_type3A_155 = arith.sitofp %convert_element_type3A_154 : vector<512x1024xi32> to vector<512x1024xf32>
    %get3A_156 = arith.constant 7 : index
    %get3A_157 = arith.constant 0 : index
    %get3A_158 = vector.load %arg11[%get3A_156, %get3A_157] : memref<8x1024xf32, #tpu.memory_space<vmem>>, vector<1x1024xf32>
    %reduce_sum3A_159 = arith.constant dense<0.000000e+00> : vector<1024xf32>
    %reduce_sum3A_160 = vector.multi_reduction <add>, %convert_element_type3A_155, %reduce_sum3A_159 [0] : vector<512x1024xf32> to vector<1024xf32>
    %broadcast_in_dim3A_161 = vector.shape_cast %reduce_sum3A_160 : vector<1024xf32> to vector<1x1024xf32>
    %add3A_162 = arith.addf %get3A_158, %broadcast_in_dim3A_161 : vector<1x1024xf32>
    %swap3A_163 = arith.constant 7 : index
    %swap3A_164 = arith.constant 0 : index
    %swap3A_165 = vector.load %arg11[%swap3A_163, %swap3A_164] : memref<8x1024xf32, #tpu.memory_space<vmem>>, vector<1x1024xf32>
    tpu.vector_store %arg11[%swap3A_163, %swap3A_164], %add3A_162 {strides = array<i32>} : memref<8x1024xf32, #tpu.memory_space<vmem>>, vector<1x1024xf32>,
    %get3A_166 = arith.constant 0 : index
    %get3A_167 = arith.constant 0 : index
    %get3A_168 = arith.constant 0 : index
    %get3A_169 = vector.load %arg4[%get3A_166, %get3A_167, %get3A_168] : memref<4x256x1000xf32, #tpu.memory_space<vmem>>, vector<1x256x1000xf32>
    %get3A_170 = vector.shape_cast %get3A_169 : vector<1x256x1000xf32> to vector<256x1000xf32>
    %dot_general3A = arith.constant dense<0.000000e+00> : vector<512x1000xf32>
    %dot_general3A_171 = tpu.matmul %add3A, %get3A_170, %dot_general3A {dimension_numbers = #tpu.dot_dimension_numbers<[1], [0], [0], [1], [0, 0, 1, 1], [], []>, transpose_lhs_hint = false} : vector<512x256xf32>, vector<256x1000xf32>, vector<512x1000xf32> -> vector<512x1000xf32>
    %get3A_172 = arith.constant 0 : index
    %get3A_173 = arith.constant 0 : index
    %get3A_174 = arith.constant 0 : index
    %get3A_175 = vector.load %arg5[%get3A_172, %get3A_173, %get3A_174] : memref<4x1x1000xf32, #tpu.memory_space<vmem>>, vector<1x1x1000xf32>
    %get3A_176 = vector.shape_cast %get3A_175 : vector<1x1x1000xf32> to vector<1x1000xf32>
    %add3A_177 = vector.broadcast %get3A_176 : vector<1x1000xf32> to vector<512x1000xf32>
    %add3A_178 = arith.addf %dot_general3A_171, %add3A_177 : vector<512x1000xf32>
    %get3A_179 = arith.constant 1 : index
    %get3A_180 = arith.constant 0 : index
    %get3A_181 = arith.constant 0 : index
    %get3A_182 = vector.load %arg4[%get3A_179, %get3A_180, %get3A_181] : memref<4x256x1000xf32, #tpu.memory_space<vmem>>, vector<1x256x1000xf32>
    %get3A_183 = vector.shape_cast %get3A_182 : vector<1x256x1000xf32> to vector<256x1000xf32>
    %dot_general3A_184 = arith.constant dense<0.000000e+00> : vector<512x1000xf32>
    %dot_general3A_185 = tpu.matmul %add3A, %get3A_183, %dot_general3A_184 {dimension_numbers = #tpu.dot_dimension_numbers<[1], [0], [0], [1], [0, 0, 1, 1], [], []>, transpose_lhs_hint = false} : vector<512x256xf32>, vector<256x1000xf32>, vector<512x1000xf32> -> vector<512x1000xf32>
    %get3A_186 = arith.constant 1 : index
    %get3A_187 = arith.constant 0 : index
    %get3A_188 = arith.constant 0 : index
    %get3A_189 = vector.load %arg5[%get3A_186, %get3A_187, %get3A_188] : memref<4x1x1000xf32, #tpu.memory_space<vmem>>, vector<1x1x1000xf32>
    %get3A_190 = vector.shape_cast %get3A_189 : vector<1x1x1000xf32> to vector<1x1000xf32>
    %add3A_191 = vector.broadcast %get3A_190 : vector<1x1000xf32> to vector<512x1000xf32>
    %add3A_192 = arith.addf %dot_general3A_185, %add3A_191 : vector<512x1000xf32>
    %get3A_193 = arith.constant 2 : index
    %get3A_194 = arith.constant 0 : index
    %get3A_195 = arith.constant 0 : index
    %get3A_196 = vector.load %arg4[%get3A_193, %get3A_194, %get3A_195] : memref<4x256x1000xf32, #tpu.memory_space<vmem>>, vector<1x256x1000xf32>
    %get3A_197 = vector.shape_cast %get3A_196 : vector<1x256x1000xf32> to vector<256x1000xf32>
    %dot_general3A_198 = arith.constant dense<0.000000e+00> : vector<512x1000xf32>
    %dot_general3A_199 = tpu.matmul %add3A, %get3A_197, %dot_general3A_198 {dimension_numbers = #tpu.dot_dimension_numbers<[1], [0], [0], [1], [0, 0, 1, 1], [], []>, transpose_lhs_hint = false} : vector<512x256xf32>, vector<256x1000xf32>, vector<512x1000xf32> -> vector<512x1000xf32>
    %get3A_200 = arith.constant 2 : index
    %get3A_201 = arith.constant 0 : index
    %get3A_202 = arith.constant 0 : index
    %get3A_203 = vector.load %arg5[%get3A_200, %get3A_201, %get3A_202] : memref<4x1x1000xf32, #tpu.memory_space<vmem>>, vector<1x1x1000xf32>
    %get3A_204 = vector.shape_cast %get3A_203 : vector<1x1x1000xf32> to vector<1x1000xf32>
    %add3A_205 = vector.broadcast %get3A_204 : vector<1x1000xf32> to vector<512x1000xf32>
    %add3A_206 = arith.addf %dot_general3A_199, %add3A_205 : vector<512x1000xf32>
    %get3A_207 = arith.constant 3 : index
    %get3A_208 = arith.constant 0 : index
    %get3A_209 = arith.constant 0 : index
    %get3A_210 = vector.load %arg4[%get3A_207, %get3A_208, %get3A_209] : memref<4x256x1000xf32, #tpu.memory_space<vmem>>, vector<1x256x1000xf32>
    %get3A_211 = vector.shape_cast %get3A_210 : vector<1x256x1000xf32> to vector<256x1000xf32>
    %dot_general3A_212 = arith.constant dense<0.000000e+00> : vector<512x1000xf32>
    %dot_general3A_213 = tpu.matmul %add3A, %get3A_211, %dot_general3A_212 {dimension_numbers = #tpu.dot_dimension_numbers<[1], [0], [0], [1], [0, 0, 1, 1], [], []>, transpose_lhs_hint = false} : vector<512x256xf32>, vector<256x1000xf32>, vector<512x1000xf32> -> vector<512x1000xf32>
    %get3A_214 = arith.constant 3 : index
    %get3A_215 = arith.constant 0 : index
    %get3A_216 = arith.constant 0 : index
    %get3A_217 = vector.load %arg5[%get3A_214, %get3A_215, %get3A_216] : memref<4x1x1000xf32, #tpu.memory_space<vmem>>, vector<1x1x1000xf32>
    %get3A_218 = vector.shape_cast %get3A_217 : vector<1x1x1000xf32> to vector<1x1000xf32>
    %add3A_219 = vector.broadcast %get3A_218 : vector<1x1000xf32> to vector<512x1000xf32>
    %add3A_220 = arith.addf %dot_general3A_213, %add3A_219 : vector<512x1000xf32>
    %concatenate3A = tpu.concatenate %add3A_178, %add3A_192, %add3A_206, %add3A_220 in 1 : vector<512x1000xf32>, vector<512x1000xf32>, vector<512x1000xf32>, vector<512x1000xf32> -> vector<512x4000xf32>
    %swap3A_221 = arith.constant 0 : index
    %swap3A_222 = arith.constant 0 : index
    %swap3A_223 = vector.load %arg7[%swap3A_221, %swap3A_222] : memref<512x4000xf32, #tpu.memory_space<vmem>>, vector<512x4000xf32>
    tpu.vector_store %arg7[%swap3A_221, %swap3A_222], %concatenate3A {strides = array<i32>} : memref<512x4000xf32, #tpu.memory_space<vmem>>, vector<512x4000xf32>,
    %eq3A_224 = arith.constant 7 : i32
    %eq3A_225 = arith.cmpi eq, %arg0, %eq3A_224 : i32
    %convert_element_type3A_226 = arith.extui %eq3A_225 : i1 to i32
    %cond3A_227 = arith.constant 0 : i32
    %cond3A_228 = arith.cmpi ne, %convert_element_type3A_226, %cond3A_227 : i32
    scf.if %cond3A_228 {
      %get3A_229 = arith.constant 0 : index
      %get3A_230 = arith.constant 0 : index
      %get3A_231 = memref.load %arg10[%get3A_229, %get3A_230] : memref<1x1xf32, #tpu.memory_space<smem>>
      %div3A = arith.constant 0x49800000 : f32
      %div3A_232 = arith.divf %get3A_231, %div3A : f32
      %mul3A_233 = arith.constant 1.250000e+00 : f32
      %mul3A_234 = arith.mulf %mul3A_233, %div3A_232 : f32
      %reshape3A = vector.broadcast %mul3A_234 : f32 to vector<1x1xf32>
      %swap3A_235 = arith.constant 0 : index
      %swap3A_236 = arith.constant 0 : index
      %swap3A_237 = vector.load %arg8[%swap3A_235, %swap3A_236] : memref<1x1xf32, #tpu.memory_space<vmem>>, vector<1x1xf32>
      tpu.vector_store %arg8[%swap3A_235, %swap3A_236], %reshape3A {strides = array<i32>} : memref<1x1xf32, #tpu.memory_space<vmem>>, vector<1x1xf32>,
      %get3A_238 = arith.constant 0 : index
      %get3A_239 = arith.constant 0 : index
      %get3A_240 = vector.load %arg11[%get3A_238, %get3A_239] : memref<8x1024xf32, #tpu.memory_space<vmem>>, vector<8x1024xf32>
      %mul3A_241 = arith.constant 2.44140625E-4 : f32
      %mul3A_242 = vector.broadcast %mul3A_241 : f32 to vector<8x1024xf32>
      %mul3A_243 = arith.mulf %get3A_240, %mul3A_242 : vector<8x1024xf32>
      %add3A_244 = arith.constant 1.000000e-10 : f32
      %add3A_245 = vector.broadcast %add3A_244 : f32 to vector<8x1024xf32>
      %add3A_246 = arith.addf %mul3A_243, %add3A_245 : vector<8x1024xf32>
      %log3A = math.log %add3A_246 : vector<8x1024xf32>
      %mul3A_247 = arith.mulf %mul3A_243, %log3A : vector<8x1024xf32>
      %reduce_sum3A_248 = vector.shape_cast %mul3A_247 : vector<8x1024xf32> to vector<1x8x1024xf32>
      %reduce_sum3A_249 = arith.constant dense<0.000000e+00> : vector<1xf32>
      %reduce_sum3A_250 = vector.multi_reduction <add>, %reduce_sum3A_248, %reduce_sum3A_249 [1, 2] : vector<1x8x1024xf32> to vector<1xf32>
      %reduce_sum3A_251 = vector.shape_cast %reduce_sum3A_250 : vector<1xf32> to vector<1x1x1xf32>
      %reduce_sum3A_252 = vector.extract %reduce_sum3A_251[0, 0, 0] : f32 from vector<1x1x1xf32>
      %neg3A = arith.constant 0.000000e+00 : f32
      %neg3A_253 = arith.subf %neg3A, %reduce_sum3A_252 : f32
      %exp3A = math.exp %neg3A_253 : f32
      %reshape3A_254 = vector.broadcast %exp3A : f32 to vector<1x1xf32>
      %swap3A_255 = arith.constant 0 : index
      %swap3A_256 = arith.constant 0 : index
      %swap3A_257 = vector.load %arg9[%swap3A_255, %swap3A_256] : memref<1x1xf32, #tpu.memory_space<vmem>>, vector<1x1xf32>
      tpu.vector_store %arg9[%swap3A_255, %swap3A_256], %reshape3A_254 {strides = array<i32>} : memref<1x1xf32, #tpu.memory_space<vmem>>, vector<1x1xf32>,
    } else {
    }
    return
  }
  func.func @transform_0(%arg0: i32) -> (i32, i32) {
    %c0_i32 = arith.constant 0 : i32
    %c0_i32_0 = arith.constant 0 : i32
    return %arg0, %c0_i32 : i32, i32
  }
  func.func @transform_1(%arg0: i32) -> (i32, i32) {
    %c0_i32 = arith.constant 0 : i32
    %c0_i32_0 = arith.constant 0 : i32
    return %arg0, %c0_i32 : i32, i32
  }
  func.func @transform_2(%arg0: i32) -> (i32, i32) {
    %c0_i32 = arith.constant 0 : i32
    %c0_i32_0 = arith.constant 0 : i32
    return %arg0, %c0_i32 : i32, i32
  }
  func.func @transform_3(%arg0: i32) -> (i32, i32, i32) {
    %c0_i32 = arith.constant 0 : i32
    %c0_i32_0 = arith.constant 0 : i32
    %c0_i32_1 = arith.constant 0 : i32
    %c0_i32_2 = arith.constant 0 : i32
    return %c0_i32, %c0_i32_0, %c0_i32_1 : i32, i32, i32
  }
  func.func @transform_4(%arg0: i32) -> (i32, i32, i32) {
    %c0_i32 = arith.constant 0 : i32
    %c0_i32_0 = arith.constant 0 : i32
    %c0_i32_1 = arith.constant 0 : i32
    %c0_i32_2 = arith.constant 0 : i32
    return %c0_i32, %c0_i32_0, %c0_i32_1 : i32, i32, i32
  }
  func.func @transform_5(%arg0: i32) -> (i32, i32) {
    %c0_i32 = arith.constant 0 : i32
    %c0_i32_0 = arith.constant 0 : i32
    return %arg0, %c0_i32 : i32, i32
  }
  func.func @transform_6(%arg0: i32) -> (i32, i32) {
    %c0_i32 = arith.constant 0 : i32
    %c0_i32_0 = arith.constant 0 : i32
    return %arg0, %c0_i32 : i32, i32
  }
  func.func @transform_7(%arg0: i32) -> (i32, i32) {
    %c0_i32 = arith.constant 0 : i32
    %c0_i32_0 = arith.constant 0 : i32
    %c0_i32_1 = arith.constant 0 : i32
    return %c0_i32, %c0_i32_0 : i32, i32
  }
  func.func @transform_8(%arg0: i32) -> (i32, i32) {
    %c0_i32 = arith.constant 0 : i32
    %c0_i32_0 = arith.constant 0 : i32
    %c0_i32_1 = arith.constant 0 : i32
    return %c0_i32, %c0_i32_0 : i32, i32
  }
}

</mosaic_0001>

<sc_bundles>
// kernel: kernel.5.cloned.1.call-start
scs
__scs_entry_jumppad:
0x0: {  	(pc) =	sbr.rel $0x88, $3  }
0x1: {  	(tag) =	ssettag $0x0;
	lr =	simm.s32 $0x1  }
0x2: {  	[smem:$0x3F99] =	sst lr;
	_ =	strace $0xD0000000  }
0x3: {  	_ = 	snop  }
0x4: {  	_ = 	snop  }
0x5: {  	_ = 	snop  }
0x6: {  	_ = 	snop  }
0x7: {  	_ = 	snop  }
__scs_overlays_trampoline_lowered:
0x8: {  	[smem:$0x3FA8] =	sst s0  }
0x9: {  	[smem:$0x3FA9] =	sst s1  }
0xa: {  	[smem:$0x3FAA] =	sst s2  }
0xb: {  	[smem:$0x3FAB] =	sst s3  }
0xc: {  	[smem:$0x3FAC] =	sst s4  }
0xd: {  	[smem:$0x3FAD] =	sst s5  }
0xe: {  	[smem:$0x3FAE] =	sst s6  }
0xf: {  	[smem:$0x3FAF] =	sst s7  }
0x10: {  	[smem:$0x3FB0] =	sst s8  }
0x11: {  	[smem:$0x3FB1] =	sst s9;
	s0 =	simm.s32 @!p0 $0x0  }
0x12: {  	s1 =	sld [smem:$0x3F97];
	s0 =	simm.s32 @p0 $0x1  }
0x13: {  	[smem:$0x3FB2] =	sst s0;
	s0 =	simm.s32 @!p1 $0x0  }
0x14: {  	s2 =	sld [smem:$0x3F96];
	s0 =	simm.s32 @p1 $0x1  }
0x15: {  	[smem:$0x3FB3] =	sst s0;
	s0 =	simm.s32 @!p2 $0x0  }
0x16: {  	s3 =	sld [smem:$0x3FDB];
	s0 =	simm.s32 @p2 $0x1  }
0x17: {  	s4 =	simm.s32 $0x1BF5;
	[smem:$0x3FB5] =	sst s0  }
0x18: {  	s0 =	sld [smem:$0x3F98];
	_ =	swait.ge [sflag:s4], $0x0  }
0x19: {  	s7 =	sld [smem:$0x3F99]  }
0x1a: {  	s8 =	sadd.s32 $0xFFFFE003, lr  }
0x1b: {  	s9 =	sadd.s32 $0xFFFFFEF7, lr;
	s5 =	simm.s32 $0xFFFFFFFF;
	p2 =	slt.u32 s8, $0xFFFFF086  }
0x1c: {  	p1 =	slt.u32 s9, $0xF7A;
	s5 =	simm.s32 @!p2 $0x0  }
0x1d: {  	s5 =	simm.s32 @p1 $0x1;
	p0 =	seq.s32 s7, s2  }
0x1e: {  	s7 =	smul.u32 @!p0 $0xF7A, s2;
	p2 =	seq.s32 @!p0 s5, $0x0  }
0x1f: {  	s9 =	smul.u32 $0xF7A, s1;
	s8 =	simm.s32 @!p0 $0x1BF5;
	p2 =	por !p2, p0  }
0x20: {  	[sflag:s8] =	ssyncset.s32 @!p0 $0xFFFFF086;
	s6 =	sadd.s32 @!p0 s3, s7;
	s7 =	simm.s32 @!p0 $0x108  }
0x21: {  	s3 =	sadd.s32 s3, s9;
	s6 =	sadd.s32 @!p0 $0x88, s6;
	s7 =	simm.s32 @p2 $0x1082  }
0x22: {  	[simem:s7], [sflag:s8] =	dma.local @!p0 [hbm:s6], $0xF7A  }
0x23: {  	s9 =	sor.u32 $0xD0000000, s2;
	s6 =	simm.s32 $0x108;
	_ =	swait.ge @!p0 [sflag:s8], $0x0  }
0x24: {  	s3 =	sadd.s32 $0x88, s3;
	s6 =	simm.s32 @!p1 $0x1082;
	[sflag:s4] =	ssyncset.s32 $0xFFFFF086  }
0x25: {  	[simem:s6], [sflag:s4] =	dma.local [hbm:s3], $0xF7A  }
0x26: {  	[smem:$0x3F99] =	sst s1;
	(tag) =	ssettag s2;
	_ =	strace s9  }
0x27: {  	s1 =	sld [smem:$0x3FA9]  }
0x28: {  	s2 =	sld [smem:$0x3FAA]  }
0x29: {  	s4 =	sld [smem:$0x3FAC]  }
0x2a: {  	p0 =	seq.s32 s5, $0x0;
	s5 =	sld [smem:$0x3FAD]  }
0x2b: {  	s6 =	sld [smem:$0x3FAE]  }
0x2c: {  	s7 =	sld [smem:$0x3FAF]  }
0x2d: {  	s3 =	simm.s32 $0x108;
	s8 =	sld [smem:$0x3FB0]  }
0x2e: {  	s3 =	simm.s32 @!p0 $0x1082;
	s9 =	sld [smem:$0x3FB1]  }
0x2f: {  	lr =	sadd.s32 s0, s3;
	s0 =	sld [smem:$0x3FA8]  }
0x30: {  	s3 =	sld [smem:$0x3FAB]  }
0x31: {  	[smem:$0x3FB4] =	sst s10  }
0x32: {  	s10 =	sld [smem:$0x3FB2];
	_ =	sdelay $0x3  }
0x33: {  	p0 =	seq.s32 s10, $0x1;
	s10 =	sld [smem:$0x3FB4];
	_ =	sdelay $0x3  }
0x34: {  	[smem:$0x3FB4] =	sst s10  }
0x35: {  	s10 =	sld [smem:$0x3FB3];
	_ =	sdelay $0x3  }
0x36: {  	p1 =	seq.s32 s10, $0x1;
	s10 =	sld [smem:$0x3FB4];
	_ =	sdelay $0x3  }
0x37: {  	[smem:$0x3FB4] =	sst s10  }
0x38: {  	s10 =	sld [smem:$0x3FB5]  }
0x39: {  	_ = 	snop;
	(pc) =	sbr.ind lr, $3  }
0x3a: {  	_ = 	snop  }
0x3b: {  	_ = 	snop  }
0x3c: {  	p2 =	seq.s32 s10, $0x1;
	s10 =	sld [smem:$0x3FB4]  }
0x3d: {  	_ =	shalt  }
0x3e: {  	_ =	shalt  }
0x3f: {  	_ =	shalt  }
0x40: {  	_ =	shalt  }
0x41: {  	_ =	shalt  }
0x42: {  	_ =	shalt  }
0x43: {  	_ =	shalt  }
0x44: {  	_ =	shalt  }
0x45: {  	_ =	shalt  }
0x46: {  	_ =	shalt  }
0x47: {  	_ =	shalt  }
0x48: {  	_ =	shalt  }
0x49: {  	_ =	shalt  }
0x4a: {  	_ =	shalt  }
0x4b: {  	_ =	shalt  }
0x4c: {  	_ =	shalt  }
0x4d: {  	_ =	shalt  }
0x4e: {  	_ =	shalt  }
0x4f: {  	_ =	shalt  }
0x50: {  	_ =	shalt  }
0x51: {  	_ =	shalt  }
0x52: {  	_ =	shalt  }
0x53: {  	_ =	shalt  }
0x54: {  	_ =	shalt  }
0x55: {  	_ =	shalt  }
0x56: {  	_ =	shalt  }
0x57: {  	_ =	shalt  }
0x58: {  	_ =	shalt  }
0x59: {  	_ =	shalt  }
0x5a: {  	_ =	shalt  }
0x5b: {  	_ =	shalt  }
0x5c: {  	_ =	shalt  }
0x5d: {  	_ =	shalt  }
0x5e: {  	_ =	shalt  }
0x5f: {  	_ =	shalt  }
0x60: {  	_ =	shalt  }
0x61: {  	_ =	shalt  }
0x62: {  	_ =	shalt  }
0x63: {  	_ =	shalt  }
0x64: {  	_ =	shalt  }
0x65: {  	_ =	shalt  }
0x66: {  	_ =	shalt  }
0x67: {  	_ =	shalt  }
0x68: {  	_ =	shalt  }
0x69: {  	_ =	shalt  }
0x6a: {  	_ =	shalt  }
0x6b: {  	_ =	shalt  }
0x6c: {  	_ =	shalt  }
0x6d: {  	_ =	shalt  }
0x6e: {  	_ =	shalt  }
0x6f: {  	_ =	shalt  }
0x70: {  	_ =	shalt  }
0x71: {  	_ =	shalt  }
0x72: {  	_ =	shalt  }
0x73: {  	_ =	shalt  }
0x74: {  	_ =	shalt  }
0x75: {  	_ =	shalt  }
0x76: {  	_ =	shalt  }
0x77: {  	_ =	shalt  }
0x78: {  	_ =	shalt  }
0x79: {  	_ =	shalt  }
0x7a: {  	_ =	shalt  }
0x7b: {  	_ =	shalt  }
0x7c: {  	_ =	shalt  }
0x7d: {  	_ =	shalt  }
0x7e: {  	_ =	shalt  }
0x7f: {  	_ =	shalt  }
0x80: {  	_ =	shalt  }
0x81: {  	_ =	shalt  }
0x82: {  	_ =	shalt  }
0x83: {  	_ =	shalt  }
0x84: {  	_ =	shalt  }
0x85: {  	_ =	shalt  }
0x86: {  	_ =	shalt  }
0x87: {  	_ =	shalt  }
.Lfunc_end0:
.L_simem_size_0:
called_computation_lowered:
.L_overlay_start_0:
0x88: {  	s2 =	sld [smem:$0x3FD9]  }
0x89: {  	s3 =	sld [smem:$0x3FFE];
	_ =	sdelay $0x1  }
0x8a: {  	s1 =	srdreg.scid  }
0x8b: {  	s0 =	sand.u32 $0x1, s1  }
0x8c: {  	s15 =	sshll.u32 s0, $0xA;
	s2 =	sadd.s32 s3, s2  }
0x8d: {  	s2 =	sadd.s32 s2, s15  }
0x8e: {  	[smem:$0x3FC0] =	sst s2  }
0x8f: {  	_ = 	snop  }
0x90: {  	s2 =	sld [smem:$0x3FD0];
	_ =	sdelay $0x2  }
0x91: {  	s4 =	simm.s32 $0xA;
	s5 =	simm.s32 $0x10;
	s16 =	sld [smem:$0x3FC4]  }
0x92: {  	[smem:s5], [sflag:s4] =	dma.local [hbm:s2], $0x1  }
0x93: {  	_ =	swait.eq [sflag:s4], $0x1  }
0x94: {  	[sflag:s4] =	ssyncset.done $0x0  }
0x95: {  	s17 =	sld [smem:$0x11];
	[sflag:s4] =	ssyncadd.s32 $0xFFFFFFFF  }
0x96: {  	s18 =	sld [smem:$0x14];
	(tm) =	ssettm $0x1  }
0x97: {  	s19 =	sld [smem:$0x3FFB];
	_ =	sdelay $0x3  }
0x98: {  	_ =	strace s19  }
0x99: {  	s5 =	sld [smem:$0x3FFC];
	_ =	sdelay $0x3  }
0x9a: {  	_ =	strace s5  }
0x9b: {  	s5 =	sld [smem:$0x3FFD];
	_ =	sdelay $0x3  }
0x9c: {  	_ =	strace s5  }
0x9d: {  	_ =	strace $0x8FFFFFFF  }
0x9e: {  	s20 =	sld [smem:$0x3FDB];
	_ =	sdelay $0x1  }
0x9f: {  	s6 =	simm.s32 $_scs_section_size  }
0xa0: {  	s7 =	simm.s32 $_size__tile_overlayer_lowered;
	s8 =	simm.s32 $_tile_overlayer_lowered  }
0xa1: {  	s23 =	simm.s32 $0x1BFF;
	s22 =	sshll.u32 s8, $0x1;
	s5 =	sadd.s32 s6, s20  }
0xa2: {  	s9 =	simm.s32 $0x0;
	s21 =	sshll.u32 s7, $0x1;
	s7 =	sadd.s32 s22, s5  }
0xa3: {  	[timem:s9], [sflag:s23] =	dma.local [hbm:s7], s21  }
0xa4: {  	_ =	swait.ge [sflag:s23], s21  }
0xa5: {  	s6 =	ssub.s32 $0x0, s21;
	[sflag:s23] =	ssyncset.done $0x0  }
0xa6: {  	[sflag:s23] =	ssyncadd.s32 s6;
	_ =	sdelay $0x1  }
0xa7: {  	s24 =	simm.s32 $0x1B8B  }
0xa8: {  	_ =	swait.ge [sflag:s24], $0x1  }
0xa9: {  	[sflag:s24] =	ssyncset.done $0x0  }
0xaa: {  	s25 =	simm.s32 $0x1B8E;
	[sflag:s24] =	ssyncadd.s32 $0xFFFFFFFF  }
0xab: {  	s26 =	simm.s32 $execute0_lowered;
	[smem:$0x3FD2] =	sst s25  }
0xac: {  	s6 =	sshll.u32 s26, $0x1;
	_ =	strace $0x80000046;
	[dreg:$0x1] =	wrdreg $0xFFFFFFFF  }
0xad: {  	s28 =	simm.s32 $_size_execute0_lowered;
	s5 =	sadd.s32 s5, s6;
	[dreg:$0x0] =	wrdreg $0x0  }
0xae: {  	s6 =	sshll.u32 s28, $0x1;
	[dreg:$0x2] =	wrdreg s5  }
0xaf: {  	[dreg:$0x3] =	wrdreg s6  }
0xb0: {  	[dreg:$0x4] =	wrdreg $0xC0  }
0xb1: {  	_ =	task [dreg:s9], $0x5FFFF  }
0xb2: {  	[dreg:$0x1] =	wrdreg $0xFFFFFFFF  }
0xb3: {  	[dreg:$0x0] =	wrdreg $0x60  }
0xb4: {  	[dreg:$0x2] =	wrdreg s16  }
0xb5: {  	[dreg:$0x3] =	wrdreg s18  }
0xb6: {  	[dreg:$0x4] =	wrdreg s17  }
0xb7: {  	[dreg:$0x5] =	wrdreg $0x9  }
0xb8: {  	_ =	task.clear_ibuf [dreg:s9], $0x6FFFF;
	_ =	strace $0x90000046  }
0xb9: {  	s29 =	simm.s32 $0x9;
	_ =	strace $0x80000048  }
0xba: {  	_ =	swait.ge [sflag:s29], $0x1  }
0xbb: {  	[sflag:s29] =	ssyncadd.s32 $0xFFFFFFFF  }
0xbc: {  	_ =	strace $0x90000048  }
0xbd: {  	_ =	sfence  }
0xbe: {  	s30 =	sld [smem:$0x0];
	_ =	sdelay $0x2  }
0xbf: {  	s31 =	sshll.u32 s1, $0xD;
	s1 =	sshrl.u32 s1, $0x2  }
0xc0: {  	s3 =	sand.u32 $0x4000, s31;
	s1 =	sadd.s32 s1, s30  }
0xc1: {  	s0 =	sor.u32 s3, s0;
	s1 =	sshll.u32 s1, $0x11  }
0xc2: {  	s0 =	sor.u32 s1, s0  }
0xc3: {  	s0 =	sadd.s32 $0x8F2B, s0  }
0xc4: {  	[sflag:s0] =	ssyncadd.remote.s32 $0x1  }
0xc5: {  	_ =	sfence.sel $0xFFFF  }
0xc6: {  	[dreg:$0x0] =	wrdreg $0xFFFFFFFF;
	(pc) =	sbr.abs _section_cstart, $3  }
0xc7: {  	[dreg:$0x1] =	wrdreg $0xFFFFFFFF  }
0xc8: {  	_ =	task.clear_ibuf [dreg:s9], $0x2FFFF;
	_ =	strace $0x9FFFFFFF  }
0xc9: {  	(tm) =	ssettm $0x7FFFFFFF  }
tec
execute0_lowered:
.L_overlay_start_1:
0x0: {  	(tag) =	ssettag $0x1  }
0x1: {  	s1 =	rddreg [dreg:$0x0]  }
0x2: {  	s4 =	rddreg [dreg:$0x1]  }
0x3: {  	s5 =	rddreg [dreg:$0x2]  }
0x4: {  	s0 =	rddreg [dreg:$0x3];
	s3 =	simm.s32 $0x0;
	s6 =	srdreg.scid  }
0x5: {  	s2 =	stileid.u32;
	s10 =	simm.s32 $0x1080;
	s11 =	simm.s32 $0x1880  }
0x6: {  	s12 =	simm.s32 $0x2080;
	s13 =	simm.s32 $0x2880;
	s14 =	simm.s32 $0x3080  }
0x7: {  	s15 =	simm.s32 $0x3880;
	s16 =	simm.s32 $0x4080;
	s17 =	simm.s32 $0x4880  }
0x8: {  	s18 =	simm.s32 $0x5080;
	s19 =	simm.s32 $0x5880;
	s20 =	simm.s32 $0x6080  }
0x9: {  	s21 =	simm.s32 $0x6880;
	s22 =	simm.s32 $0x7080;
	s23 =	simm.s32 $0x7880  }
0xa: {  	s24 =	simm.s32 $0x1;
	[smem:$0x7FF] =	sst s3;
	s6 =	sand.u32 $0x1, s6  }
0xb: {  	s8 =	sshll.u32 s2, $0x8;
	s7 =	ssub.s32 $0x2, s6;
	s6 =	sshll.u32 s6, $0x7  }
0xc: {  	_ =	strace $0x80000047;
	s9 =	sshrl.u32 s7, $0x1;
	s6 =	sor.u32 s6, s8  }
0xd: {  	v2 =	vlaneseq.u32;
	s7 =	ssub.s32 s7, s9;
	s8 =	sshrl.u32 s6, $0x3;
	s6 =	sshll.u32 s6, $0x5  }
0xe: {  	vm0 =	vmmov $0xffff;
	v1 =	vshrl.u32 v2, $0x3;
	s9 =	simm.s32 $0x880;
	s4 =	sadd.s32 s4, s8;
	s5 =	sadd.s32 s5, s6  }
0xf: {  	v0 =	vand.u32 $0x7, v2;
	v2 =	vor.u32 $0x8, v2;
	v1 =	vmul.u32 $0x8, v1;
	s6 =	smax.u32 s7, $0x1;
	s7 =	simm.s32 $0x2;
	s8 =	simm.s32 $0x80  }
.LBB2_1:
0x10: {  	[tilespmem:s3], [sflag:$0x2] =	stream.linear.gather [hbm4b:s4+s3], $0x80, $0x38;
	[tilespmem:$0x8080] =	vst v63  }
0x11: {  	_ =	swait.ge [sflag:s7], $0x80  }
0x12: {  	[sflag:s7] =	ssyncset.done $0x0  }
0x13: {  	[sflag:s7] =	ssyncadd.s32 $0xFFFFFF80  }
0x14: {  	v3 =	vld [tilespmem:$0x0];
	_ =	sdelay $0x4  }
0x15: {  	v4 =	vshll.u32 v3, $0x1  }
0x16: {  	v3 =	vand.u32 $0x7, v3;
	v4 =	vand.u32 $0xFFFFFFF0, v4  }
0x17: {  	v3 =	vor.u32 v3, v4  }
0x18: {  	v4 =	vperm.xlane v3, v0;
	_ =	sdelay $0x1  }
0x19: {  	v3 =	vperm.xlane v3, v2;
	v4 =	vadd.s32 v1, v4;
	_ =	sdelay $0x1  }
0x1a: {  	v3 =	vadd.s32 v1, v3;
	_ =	sdelay $0x2  }
0x1b: {  	[tilespmem:s8], [sflag:$0x1] =	stream.indirect_vreg.gather [hbm4b:s1+s3], $0x80, v4, vm0, $0xb8;
	[tilespmem:$0x8080] =	vst v63  }
0x1c: {  	_ = 	snop  }
0x1d: {  	[tilespmem:s9], [sflag:$0x1] =	stream.indirect_vreg.gather [hbm4b:s1+s3], $0x80, v3, vm0, $0xb8;
	[tilespmem:$0x8080] =	vst v63  }
0x1e: {  	v3 =	vld [tilespmem:$0x10];
	_ =	sdelay $0x4  }
0x1f: {  	v57 =	vshll.u32 v3, $0x1  }
0x20: {  	v3 =	vand.u32 $0x7, v3;
	v4 =	vand.u32 $0xFFFFFFF0, v57  }
0x21: {  	v3 =	vor.u32 v3, v4  }
0x22: {  	v4 =	vperm.xlane v3, v0;
	_ =	sdelay $0x1  }
0x23: {  	v3 =	vperm.xlane v3, v2;
	v4 =	vadd.s32 v1, v4;
	_ =	sdelay $0x1  }
0x24: {  	v3 =	vadd.s32 v1, v3;
	_ =	sdelay $0x2  }
0x25: {  	[tilespmem:s10], [sflag:$0x1] =	stream.indirect_vreg.gather [hbm4b:s1+s3], $0x80, v4, vm0, $0xb8;
	[tilespmem:$0x8080] =	vst v63  }
0x26: {  	_ = 	snop  }
0x27: {  	[tilespmem:s11], [sflag:$0x1] =	stream.indirect_vreg.gather [hbm4b:s1+s3], $0x80, v3, vm0, $0xb8;
	[tilespmem:$0x8080] =	vst v63  }
0x28: {  	v3 =	vld [tilespmem:$0x20];
	_ =	sdelay $0x4  }
0x29: {  	v58 =	vshll.u32 v3, $0x1  }
0x2a: {  	v3 =	vand.u32 $0x7, v3;
	v4 =	vand.u32 $0xFFFFFFF0, v58  }
0x2b: {  	v3 =	vor.u32 v3, v4  }
0x2c: {  	v4 =	vperm.xlane v3, v0;
	_ =	sdelay $0x1  }
0x2d: {  	v3 =	vperm.xlane v3, v2;
	v4 =	vadd.s32 v1, v4;
	_ =	sdelay $0x1  }
0x2e: {  	v3 =	vadd.s32 v1, v3;
	_ =	sdelay $0x2  }
0x2f: {  	[tilespmem:s12], [sflag:$0x1] =	stream.indirect_vreg.gather [hbm4b:s1+s3], $0x80, v4, vm0, $0xb8;
	[tilespmem:$0x8080] =	vst v63  }
0x30: {  	_ = 	snop  }
0x31: {  	[tilespmem:s13], [sflag:$0x1] =	stream.indirect_vreg.gather [hbm4b:s1+s3], $0x80, v3, vm0, $0xb8;
	[tilespmem:$0x8080] =	vst v63  }
0x32: {  	v3 =	vld [tilespmem:$0x30];
	_ =	sdelay $0x4  }
0x33: {  	v59 =	vshll.u32 v3, $0x1  }
0x34: {  	v3 =	vand.u32 $0x7, v3;
	v4 =	vand.u32 $0xFFFFFFF0, v59  }
0x35: {  	v3 =	vor.u32 v3, v4  }
0x36: {  	v4 =	vperm.xlane v3, v0;
	_ =	sdelay $0x1  }
0x37: {  	v3 =	vperm.xlane v3, v2;
	v4 =	vadd.s32 v1, v4;
	_ =	sdelay $0x1  }
0x38: {  	v3 =	vadd.s32 v1, v3;
	_ =	sdelay $0x2  }
0x39: {  	[tilespmem:s14], [sflag:$0x1] =	stream.indirect_vreg.gather [hbm4b:s1+s3], $0x80, v4, vm0, $0xb8;
	[tilespmem:$0x8080] =	vst v63  }
0x3a: {  	_ = 	snop  }
0x3b: {  	[tilespmem:s15], [sflag:$0x1] =	stream.indirect_vreg.gather [hbm4b:s1+s3], $0x80, v3, vm0, $0xb8;
	[tilespmem:$0x8080] =	vst v63  }
0x3c: {  	v3 =	vld [tilespmem:$0x40];
	_ =	sdelay $0x4  }
0x3d: {  	v60 =	vshll.u32 v3, $0x1  }
0x3e: {  	v3 =	vand.u32 $0x7, v3;
	v4 =	vand.u32 $0xFFFFFFF0, v60  }
0x3f: {  	v3 =	vor.u32 v3, v4  }
0x40: {  	v4 =	vperm.xlane v3, v0;
	_ =	sdelay $0x1  }
0x41: {  	v3 =	vperm.xlane v3, v2;
	v4 =	vadd.s32 v1, v4;
	_ =	sdelay $0x1  }
0x42: {  	v3 =	vadd.s32 v1, v3;
	_ =	sdelay $0x2  }
0x43: {  	[tilespmem:s16], [sflag:$0x1] =	stream.indirect_vreg.gather [hbm4b:s1+s3], $0x80, v4, vm0, $0xb8;
	[tilespmem:$0x8080] =	vst v63  }
0x44: {  	_ = 	snop  }
0x45: {  	[tilespmem:s17], [sflag:$0x1] =	stream.indirect_vreg.gather [hbm4b:s1+s3], $0x80, v3, vm0, $0xb8;
	[tilespmem:$0x8080] =	vst v63  }
0x46: {  	v3 =	vld [tilespmem:$0x50];
	_ =	sdelay $0x4  }
0x47: {  	v61 =	vshll.u32 v3, $0x1  }
0x48: {  	v3 =	vand.u32 $0x7, v3;
	v4 =	vand.u32 $0xFFFFFFF0, v61  }
0x49: {  	v3 =	vor.u32 v3, v4  }
0x4a: {  	v4 =	vperm.xlane v3, v0;
	_ =	sdelay $0x1  }
0x4b: {  	v3 =	vperm.xlane v3, v2;
	v4 =	vadd.s32 v1, v4;
	_ =	sdelay $0x1  }
0x4c: {  	v3 =	vadd.s32 v1, v3;
	_ =	sdelay $0x2  }
0x4d: {  	[tilespmem:s18], [sflag:$0x1] =	stream.indirect_vreg.gather [hbm4b:s1+s3], $0x80, v4, vm0, $0xb8;
	[tilespmem:$0x8080] =	vst v63  }
0x4e: {  	_ = 	snop  }
0x4f: {  	[tilespmem:s19], [sflag:$0x1] =	stream.indirect_vreg.gather [hbm4b:s1+s3], $0x80, v3, vm0, $0xb8;
	[tilespmem:$0x8080] =	vst v63  }
0x50: {  	v3 =	vld [tilespmem:$0x60];
	_ =	sdelay $0x4  }
0x51: {  	v62 =	vshll.u32 v3, $0x1  }
0x52: {  	v3 =	vand.u32 $0x7, v3;
	v4 =	vand.u32 $0xFFFFFFF0, v62  }
0x53: {  	v3 =	vor.u32 v3, v4  }
0x54: {  	v4 =	vperm.xlane v3, v0;
	_ =	sdelay $0x1  }
0x55: {  	v3 =	vperm.xlane v3, v2;
	v4 =	vadd.s32 v1, v4;
	_ =	sdelay $0x1  }
0x56: {  	v3 =	vadd.s32 v1, v3;
	_ =	sdelay $0x2  }
0x57: {  	[tilespmem:s20], [sflag:$0x1] =	stream.indirect_vreg.gather [hbm4b:s1+s3], $0x80, v4, vm0, $0xb8;
	[tilespmem:$0x8080] =	vst v63  }
0x58: {  	_ = 	snop  }
0x59: {  	[tilespmem:s21], [sflag:$0x1] =	stream.indirect_vreg.gather [hbm4b:s1+s3], $0x80, v3, vm0, $0xb8;
	[tilespmem:$0x8080] =	vst v63  }
0x5a: {  	v3 =	vld [tilespmem:$0x70];
	_ =	sdelay $0x4  }
0x5b: {  	v63 =	vshll.u32 v3, $0x1  }
0x5c: {  	v3 =	vand.u32 $0x7, v3;
	v4 =	vand.u32 $0xFFFFFFF0, v63  }
0x5d: {  	v3 =	vor.u32 v3, v4  }
0x5e: {  	v4 =	vperm.xlane v3, v0;
	_ =	sdelay $0x1  }
0x5f: {  	v3 =	vperm.xlane v3, v2;
	v4 =	vadd.s32 v1, v4;
	_ =	sdelay $0x1  }
0x60: {  	v3 =	vadd.s32 v1, v3;
	_ =	sdelay $0x2  }
0x61: {  	[tilespmem:s22], [sflag:$0x1] =	stream.indirect_vreg.gather [hbm4b:s1+s3], $0x80, v4, vm0, $0xb8;
	[tilespmem:$0x8080] =	vst v63  }
0x62: {  	_ = 	snop  }
0x63: {  	[tilespmem:s23], [sflag:$0x1] =	stream.indirect_vreg.gather [hbm4b:s1+s3], $0x80, v3, vm0, $0xb8;
	[tilespmem:$0x8080] =	vst v63  }
0x64: {  	_ =	swait.ge [sflag:s24], $0x8000  }
0x65: {  	p0 =	sne.s32 s6, $0x1;
	[sflag:s24] =	ssyncset.done $0x0  }
.Ltmp0:
0x66: {  	[sflag:s24] =	ssyncadd.s32 $0xFFFF8000;
	(pc) =	sbr.rel @p0 .LBB2_1-.Ltmp0, $4  }
0x67: {  	[hbm4b:s5+s3] =	stream.linear.scatter [tilespmem:s8], [sflag:$0x2], $0x8000, $0x38;
	[tilespmem:$0x8080] =	vst v63  }
0x68: {  	_ =	swait.ge [sflag:s7], $0x8000  }
0x69: {  	[sflag:s7] =	ssyncset.done $0x0  }
0x6a: {  	s6 =	sadd.s32 $0xFFFFFFFF, s6;
	[sflag:s7] =	ssyncadd.s32 $0xFFFF8000  }
0x6b: {  	_ =	sfence.sel $0x180000  }
0x6c: {  	[bflag:$0x0] =	sbarrier.arrive $0xFFFF  }
0x6d: {  	p0 =	sne.s32 s2, $0x0;
	_ =	strace $0x90000047  }
0x6e: {  	s0 =	sadd.s32 @!p0 $0x100000, s0;
	[bflag:$0x2] =	sbarrier.arrive $0xFFFF  }
0x6f: {  	[sflag:s0] =	ssyncadd.tile.s32 @!p0 $0x1;
	_ =	shalt  }
.Lfunc_end2:
_tile_overlayer_lowered:
.L_overlay_start_2:
0x70: {  	(tag) =	ssettag $0x2  }
0x71: {  	s0 =	rddreg [dreg:$0x0];
	s2 =	stileid.u32  }
0x72: {  	s1 =	rddreg [dreg:$0x1];
	p0 =	sne.s32 s2, $0x0  }
0x73: {  	s3 =	rddreg [dreg:$0x2];
	[bflag:$0x3] =	sbarrier.arrive $0xFFFF;
	s2 =	simm.s32 @!p0 $0x1C02  }
0x74: {  	[timem:s3], [sflag:s2] =	dma.local @!p0 [hbm:s0], s1  }
0x75: {  	s0 =	simm.s32 @!p0 $0x2  }
0x76: {  	_ =	swait.ge @!p0 [sflag:s0], s1  }
0x77: {  	s1 =	ssub.s32 @!p0 $0x0, s1;
	[sflag:s0] =	ssyncset.done @!p0 $0x0  }
0x78: {  	[sflag:s0] =	ssyncadd.s32 @!p0 s1  }
0x79: {  	[bflag:$0x3] =	sbarrier.arrive $0xFFFF  }
0x7a: {  	_ =	shalt  }

</sc_bundles>
